<compile_context>
chip_gen: v7x
topology: tpu7x:2x2x1
jax: 0.10.2.dev20260603
libtpu: 0.0.44.dev20260713+nightly
codegen_flags: <defaults>
</compile_context>

<pallas_src>
import functools

import jax
import jax.numpy as jnp
from jax import lax
from jax.experimental import pallas as pl
from jax.experimental.pallas import tpu as pltpu
from jax.experimental.pallas import tpu_sc as plsc

N_NODES = 10000
NP = 10240
E = 320000
D_IN = 128
D_HID = 128
D_OUT = 64
C = 128
NW = 32
K = 80
CHUNKS = NW * K
E_PAD = CHUNKS * C
K0 = 160
K1 = 0
G0 = 40
G1 = 40
GMAX = max(G0, G1)
RPS = NP // 16


def _sc_mesh():
    return plsc.VectorSubcoreMesh(core_axis_name="c", subcore_axis_name="s")


def _deg_call():
    @functools.partial(
        pl.kernel,
        out_type=jax.ShapeDtypeStruct((2, NP, D_HID), jnp.float32),
        mesh=_sc_mesh(),
        scratch_types=[
            pltpu.VMEM((K, C), jnp.int32),
            pltpu.VMEM((C, D_HID), jnp.float32),
            pltpu.VMEM_SHARED((NP, D_HID), jnp.float32),
            pltpu.SemaphoreType.DMA((8,)),
        ],
    )
    def deg_k(dstp_hbm, ones_hbm, zin_hbm, out_hbm, dst_v, ones_v, deg_sh,
              dsem):
        c = lax.axis_index("c")
        s = lax.axis_index("s")
        w = c * 16 + s
        r0 = pl.multiple_of(s * RPS, 8)
        pltpu.sync_copy(zin_hbm, deg_sh.at[pl.ds(r0, RPS)])
        pltpu.sync_copy(ones_hbm, ones_v)
        pltpu.sync_copy(dstp_hbm.at[pl.ds(w * K, K)], dst_v)
        plsc.subcore_barrier()

        def body(i, carry):
            for b in range(8):
                pltpu.async_copy(ones_v, deg_sh.at[dst_v.at[i * 8 + b]],
                                 dsem.at[b], add=True)
            for b in range(8):
                pltpu.make_async_copy(ones_v, deg_sh.at[dst_v.at[0]],
                                      dsem.at[b]).wait()
            return carry

        lax.fori_loop(0, K // 8, body, 0)

        plsc.subcore_barrier()
        pltpu.sync_copy(deg_sh.at[pl.ds(r0, RPS)],
                        out_hbm.at[c].at[pl.ds(r0, RPS)])

    return deg_k


def _agg_call(d):
    @functools.partial(
        pl.kernel,
        out_type=jax.ShapeDtypeStruct((2, NP, d), jnp.float32),
        mesh=_sc_mesh(),
        scratch_types=[
            pltpu.VMEM((GMAX, C), jnp.int32),
            pltpu.VMEM((GMAX, C), jnp.int32),
            pltpu.VMEM((2, C, d), jnp.float32),
            pltpu.VMEM_SHARED((NP, d), jnp.float32),
            pltpu.SemaphoreType.DMA((2,)),
            pltpu.SemaphoreType.DMA((2,)),
        ],
    )
    def agg_k(g_hbm, srcp_hbm, dstp_hbm, zin_hbm, out_hbm,
              src_v, dst_v, rows_v, acc_sh, gsem, ssem):
        c = lax.axis_index("c")
        s = lax.axis_index("s")
        r0 = pl.multiple_of(s * RPS, 8)
        pltpu.sync_copy(zin_hbm, acc_sh.at[pl.ds(r0, RPS)])
        plsc.subcore_barrier()

        def gather(j, b):
            pltpu.async_copy(g_hbm.at[src_v.at[j]], rows_v.at[b], gsem.at[b])

        def wait_gather(b):
            pltpu.make_async_copy(g_hbm.at[src_v.at[0]], rows_v.at[b],
                                  gsem.at[b]).wait()

        def scatter(j, b):
            pltpu.async_copy(rows_v.at[b], acc_sh.at[dst_v.at[j]],
                             ssem.at[b], add=True)

        def wait_scatter(b):
            pltpu.make_async_copy(rows_v.at[b], acc_sh.at[dst_v.at[0]],
                                  ssem.at[b]).wait()

        def stage_and_run(k, chunk_base, g):
            def blk(t, carry):
                base = pl.multiple_of(chunk_base + t * g, 8)
                pltpu.sync_copy(srcp_hbm.at[pl.ds(base, g)],
                                src_v.at[pl.ds(0, g)])
                pltpu.sync_copy(dstp_hbm.at[pl.ds(base, g)],
                                dst_v.at[pl.ds(0, g)])
                gather(0, 0)
                gather(1, 1)

                def inner(i, icarry):
                    j0 = 2 * i
                    for b in range(2):
                        wait_gather(b)
                        scatter(j0 + b, b)
                    for b in range(2):
                        wait_scatter(b)

                        @pl.when(j0 + 2 + b < g)
                        def _():
                            gather(j0 + 2 + b, b)
                    return icarry

                lax.fori_loop(0, g // 2, inner, 0)
                return carry

            lax.fori_loop(0, k // g, blk, 0)

        @pl.when(c == 0)
        def _():
            stage_and_run(K0, s * K0, G0)

        if K1:
            @pl.when(c == 1)
            def _():
                stage_and_run(K1, 16 * K0 + s * K1, G1)

        plsc.subcore_barrier()
        pltpu.sync_copy(acc_sh.at[pl.ds(r0, RPS)],
                        out_hbm.at[c].at[pl.ds(r0, RPS)])

    return agg_k


def _dinv(deg_ref):
    total = deg_ref[0] + deg_ref[1] + 1.0
    return lax.rsqrt(total)


def _tc1_call(x_p, w1, deg_parts):
    def body(x_ref, w_ref, deg_ref, g_ref):
        dinv = _dinv(deg_ref)
        g_ref[...] = jnp.dot(x_ref[...], w_ref[...],
                             preferred_element_type=jnp.float32) * dinv

    return pl.pallas_call(
        body, out_shape=jax.ShapeDtypeStruct((NP, D_HID), jnp.float32),
    )(x_p, w1, deg_parts)


def _tc2_call(acc1, g1, deg_parts, w2, b1):
    def body(acc_ref, g1_ref, deg_ref, w_ref, b_ref, g2_ref):
        dinv = _dinv(deg_ref)
        ssum = acc_ref[0] + acc_ref[1] + g1_ref[...]
        h = jnp.maximum(ssum * dinv + b_ref[...], 0.0)
        g2 = jnp.dot(h, w_ref[...], preferred_element_type=jnp.float32) * dinv
        g2_ref[...] = jnp.concatenate(
            [g2, jnp.zeros((NP, D_HID - D_OUT), jnp.float32)], axis=1)

    return pl.pallas_call(
        body, out_shape=jax.ShapeDtypeStruct((NP, D_HID), jnp.float32),
    )(acc1, g1, deg_parts, w2, b1)


def _tc3_call(acc2, g2, deg_parts, b2):
    def body(acc_ref, g2_ref, deg_ref, b_ref, out_ref):
        dinv = _dinv(deg_ref)
        z = (acc_ref[0, :, :D_OUT] + acc_ref[1, :, :D_OUT]
             + g2_ref[:, :D_OUT]) * dinv + b_ref[...]
        z = z - jnp.max(z, axis=1, keepdims=True)
        e = jnp.exp(z)
        out_ref[...] = e / jnp.sum(e, axis=1, keepdims=True)

    return pl.pallas_call(
        body, out_shape=jax.ShapeDtypeStruct((NP, D_OUT), jnp.float32),
    )(acc2, g2, deg_parts, b2)


def kernel(x, edge_index, W1, b1, W2, b2):
    ei = edge_index.astype(jnp.int32)
    src = ei[0]
    dst = ei[1]
    pad = E_PAD - E
    src_p = jnp.concatenate([src, jnp.zeros((pad,), jnp.int32)])
    dst_p = jnp.concatenate(
        [dst, N_NODES + (jnp.arange(pad, dtype=jnp.int32) % (NP - N_NODES))])
    srcp = src_p.reshape(CHUNKS, C)
    dstp = dst_p.reshape(CHUNKS, C)
    x_p = jnp.pad(x, ((0, NP - N_NODES), (0, 0)))

    zin = jnp.zeros((RPS, D_HID), jnp.float32)
    deg_raw = _deg_call()(dstp, jnp.ones((C, D_HID), jnp.float32), zin)
    deg_parts = deg_raw[:, :, :1]
    g1 = _tc1_call(x_p, W1, deg_parts)
    acc1 = _agg_call(D_HID)(g1, srcp, dstp, zin)
    g2 = _tc2_call(acc1, g1, deg_parts, W2, b1.reshape(1, -1))
    acc2 = _agg_call(D_HID)(g2, srcp, dstp, zin)
    out = _tc3_call(acc2, g2, deg_parts, b2.reshape(1, -1))
    return out[:N_NODES]

# --- scband reference (transcript-rebuilt; emitter-appended) ---
"""Pipeline reference for scband-gcn-58067957842339 (READ-ONLY COPY).

The authoritative reference and input builder live on the scoring server;
editing this copy changes nothing except your own understanding.
"""

import jax, jax.numpy as jnp
import numpy as np

N_NODES = 10000
N_EDGES = 320000
D_IN = 128
D_HID = 128
D_OUT = 64


def gcn_conv(x, edge_index, W, b):
    # Standard GCN convolution: D^{-1/2} (A + I) D^{-1/2} X W + b
    n = x.shape[0]
    src = edge_index[0]
    dst = edge_index[1]
    loop = jnp.arange(n, dtype=src.dtype)
    src = jnp.concatenate([src, loop])
    dst = jnp.concatenate([dst, loop])
    deg = jnp.zeros((n,), dtype=x.dtype).at[dst].add(1.0)
    dinv_sqrt = 1.0 / jnp.sqrt(deg)
    h = x @ W
    norm = dinv_sqrt[src] * dinv_sqrt[dst]
    msg = h[src] * norm[:, None]
    out = jnp.zeros((n, h.shape[1]), dtype=x.dtype).at[dst].add(msg)
    return out + b


def setup_inputs(seed: int = 0) -> dict:
    key = jax.random.key(seed)
    k1, k2, k3, k4, k5, k6 = jax.random.split(key, 6)
    x = jax.random.normal(k1, (N_NODES, D_IN), dtype=jnp.float32)
    edge_index = jax.random.randint(k2, (2, N_EDGES), 0, N_NODES, dtype=jnp.int64)
    s1 = 1.0 / np.sqrt(D_IN)
    s2 = 1.0 / np.sqrt(D_HID)
    W1 = jax.random.uniform(k3, (D_IN, D_HID), dtype=jnp.float32, minval=-s1, maxval=s1)
    b1 = jax.random.uniform(k4, (D_HID,), dtype=jnp.float32, minval=-s1, maxval=s1)
    W2 = jax.random.uniform(k5, (D_HID, D_OUT), dtype=jnp.float32, minval=-s2, maxval=s2)
    b2 = jax.random.uniform(k6, (D_OUT,), dtype=jnp.float32, minval=-s2, maxval=s2)
    return {"x": x, "edge_index": edge_index, "W1": W1, "b1": b1, "W2": W2, "b2": b2}


def reference(x, edge_index, W1, b1, W2, b2):
    h = gcn_conv(x, edge_index, W1, b1)
    h = jax.nn.relu(h)
    # dropout in eval mode -> identity
    h = gcn_conv(h, edge_index, W2, b2)
    return jax.nn.softmax(h, axis=-1)

if __name__ == "__main__":
    import jax
    _d = setup_inputs()
    print(jax.jit(kernel)(*tuple(_d.values())))

</pallas_src>

<mosaic_0001>
#map = affine_map<(d0, d1) -> (0, 0)>
#map1 = affine_map<(d0, d1) -> (0, 0, 0)>
module attributes {stable_mosaic.version = 14 : i64} {
  func.func @deg_k(%arg0: i32, %arg1: i32, %arg2: memref<2560x128xi32, #tpu.memory_space<hbm>>, %arg3: memref<128x128xf32, #tpu.memory_space<hbm>>, %arg4: memref<640x128xf32, #tpu.memory_space<hbm>>, %arg5: memref<2x10240x128xf32, #tpu.memory_space<hbm>>, %arg6: memref<80x128xi32, #tpu.memory_space<vmem>>, %arg7: memref<128x128xf32, #tpu.memory_space<vmem>>, %arg8: memref<10240x128xf32, #tpu.memory_space<vmem_shared>>, %arg9: memref<8x!tpu.dma_semaphore, #tpu.memory_space<semaphore_mem>>) attributes {dimension_semantics = [#tpu.dimension_semantics<core_parallel>, #tpu.dimension_semantics<subcore_parallel>], iteration_bounds = array<i64: 2, 16>, scalar_prefetch = 0 : i64, scratch_operands = 4 : i64, tpu.core_type = #tpu.core_type<sc_vector_subcore>, window_params = [{transform_indices = #map}, {transform_indices = #map}, {transform_indices = #map}, {transform_indices = #map1}]} {
    %mul3A = arith.constant 16 : i32
    %mul3A_0 = arith.muli %arg0, %mul3A : i32
    %add3A = arith.addi %mul3A_0, %arg1 : i32
    %mul3A_1 = arith.constant 640 : i32
    %mul3A_2 = arith.muli %arg1, %mul3A_1 : i32
    %multiple_of3A = tpu.assume_multiple %mul3A_2, 8 : i32
    "tpu.region"() ({
      %run_scoped3A = tpu.sem_alloc : memref<!tpu.dma_semaphore, #tpu.memory_space<semaphore_mem>>
      %dma_start3A = arith.constant 0 : i32
      %dma_start3A_11 = tpu.memref_slice %arg8[%multiple_of3A, %dma_start3A] : memref<10240x128xf32, #tpu.memory_space<vmem_shared>> -> memref<640x128xf32, #tpu.memory_space<vmem_shared>>
      tpu.enqueue_dma source(%arg4 : memref<640x128xf32, #tpu.memory_space<hbm>>) target(%dma_start3A_11 : memref<640x128xf32, #tpu.memory_space<vmem_shared>>) target_semaphore(%run_scoped3A : memref<!tpu.dma_semaphore, #tpu.memory_space<semaphore_mem>>)
      %dma_wait3A = arith.constant 0 : i32
      %dma_wait3A_12 = tpu.memref_slice %arg8[%multiple_of3A, %dma_wait3A] : memref<10240x128xf32, #tpu.memory_space<vmem_shared>> -> memref<640x128xf32, #tpu.memory_space<vmem_shared>>
      tpu.wait_dma2 semaphore(%run_scoped3A : memref<!tpu.dma_semaphore, #tpu.memory_space<semaphore_mem>>) src(%arg4 : memref<640x128xf32, #tpu.memory_space<hbm>>) dst(%dma_wait3A_12 : memref<640x128xf32, #tpu.memory_space<vmem_shared>>)
      tpu.yield
    }) : () -> ()
    "tpu.region"() ({
      %run_scoped3A = tpu.sem_alloc : memref<!tpu.dma_semaphore, #tpu.memory_space<semaphore_mem>>
      tpu.enqueue_dma source(%arg3 : memref<128x128xf32, #tpu.memory_space<hbm>>) target(%arg7 : memref<128x128xf32, #tpu.memory_space<vmem>>) target_semaphore(%run_scoped3A : memref<!tpu.dma_semaphore, #tpu.memory_space<semaphore_mem>>)
      tpu.wait_dma2 semaphore(%run_scoped3A : memref<!tpu.dma_semaphore, #tpu.memory_space<semaphore_mem>>) src(%arg3 : memref<128x128xf32, #tpu.memory_space<hbm>>) dst(%arg7 : memref<128x128xf32, #tpu.memory_space<vmem>>)
      tpu.yield
    }) : () -> ()
    %mul3A_3 = arith.constant 80 : i32
    %mul3A_4 = arith.muli %add3A, %mul3A_3 : i32
    "tpu.region"() ({
      %run_scoped3A = tpu.sem_alloc : memref<!tpu.dma_semaphore, #tpu.memory_space<semaphore_mem>>
      %dma_start3A = arith.constant 0 : i32
      %dma_start3A_11 = tpu.memref_slice %arg2[%mul3A_4, %dma_start3A] : memref<2560x128xi32, #tpu.memory_space<hbm>> -> memref<80x128xi32, #tpu.memory_space<hbm>>
      %dma_start3A_12 = arith.constant 0 : i32
      %dma_start3A_13 = tpu.memref_slice %arg2[%mul3A_4, %dma_start3A_12] : memref<2560x128xi32, #tpu.memory_space<hbm>> -> memref<80x128xi32, #tpu.memory_space<hbm>>
      tpu.enqueue_dma source(%dma_start3A_13 : memref<80x128xi32, #tpu.memory_space<hbm>>) target(%arg6 : memref<80x128xi32, #tpu.memory_space<vmem>>) target_semaphore(%run_scoped3A : memref<!tpu.dma_semaphore, #tpu.memory_space<semaphore_mem>>)
      %dma_wait3A = arith.constant 0 : i32
      %dma_wait3A_14 = tpu.memref_slice %arg2[%mul3A_4, %dma_wait3A] : memref<2560x128xi32, #tpu.memory_space<hbm>> -> memref<80x128xi32, #tpu.memory_space<hbm>>
      %dma_wait3A_15 = arith.constant 0 : i32
      %dma_wait3A_16 = tpu.memref_slice %arg2[%mul3A_4, %dma_wait3A_15] : memref<2560x128xi32, #tpu.memory_space<hbm>> -> memref<80x128xi32, #tpu.memory_space<hbm>>
      tpu.wait_dma2 semaphore(%run_scoped3A : memref<!tpu.dma_semaphore, #tpu.memory_space<semaphore_mem>>) src(%dma_wait3A_16 : memref<80x128xi32, #tpu.memory_space<hbm>>) dst(%arg6 : memref<80x128xi32, #tpu.memory_space<vmem>>)
      tpu.yield
    }) : () -> ()
    %barrier3A = arith.constant 0 : index
    tpu.barrier barrier_id(%barrier3A)
    %scan3A = arith.constant 0 : i32
    %scan3A_5 = arith.constant 0 : i32
    %scan3A_6 = arith.constant 10 : i32
    %scan3A_7 = arith.addi %scan3A_5, %scan3A_6 : i32
    %scan3A_8 = arith.constant 1 : i32
    scf.for %scan3A_11 = %scan3A_5 to %scan3A_7 step %scan3A_8  : i32 {
      %mul3A_12 = arith.constant 8 : i32
      %mul3A_13 = arith.muli %scan3A_11, %mul3A_12 : i32
      %add3A_14 = arith.constant 0 : i32
      %add3A_15 = arith.addi %mul3A_13, %add3A_14 : i32
      %dma_start3A = arith.constant 0 : i32
      %dma_start3A_16 = arith.constant 0 : i32
      %dma_start3A_17 = tpu.memref_slice %arg6[%add3A_15, %dma_start3A_16] : memref<80x128xi32, #tpu.memory_space<vmem>> -> memref<1x128xi32, #tpu.memory_space<vmem>>
      %dma_start3A_18 = tpu.memref_squeeze %dma_start3A_17 : memref<1x128xi32, #tpu.memory_space<vmem>> -> memref<128xi32, #tpu.memory_space<vmem>>
      %dma_start3A_19 = arith.constant 0 : i32
      %dma_start3A_20 = arith.constant 0 : i32
      %dma_start3A_21 = tpu.memref_slice %arg8[%dma_start3A_19, %dma_start3A_20] : memref<10240x128xf32, #tpu.memory_space<vmem_shared>> -> memref<10240x128xf32, #tpu.memory_space<vmem_shared>>
      %dma_start3A_22 = tpu.memref_slice %arg9[%dma_start3A] : memref<8x!tpu.dma_semaphore, #tpu.memory_space<semaphore_mem>> -> memref<1x!tpu.dma_semaphore, #tpu.memory_space<semaphore_mem>>
      %dma_start3A_23 = tpu.memref_squeeze %dma_start3A_22 : memref<1x!tpu.dma_semaphore, #tpu.memory_space<semaphore_mem>> -> memref<!tpu.dma_semaphore, #tpu.memory_space<semaphore_mem>>
      tpu.enqueue_indirect_dma source(%arg7 : memref<128x128xf32, #tpu.memory_space<vmem>>) target(%dma_start3A_21 : memref<10240x128xf32, #tpu.memory_space<vmem_shared>>) offsets(%dma_start3A_18 : memref<128xi32, #tpu.memory_space<vmem>>) semaphore(%dma_start3A_23 : memref<!tpu.dma_semaphore, #tpu.memory_space<semaphore_mem>>) {add = true}
      %mul3A_24 = arith.constant 8 : i32
      %mul3A_25 = arith.muli %scan3A_11, %mul3A_24 : i32
      %add3A_26 = arith.constant 1 : i32
      %add3A_27 = arith.addi %mul3A_25, %add3A_26 : i32
      %dma_start3A_28 = arith.constant 1 : i32
      %dma_start3A_29 = arith.constant 0 : i32
      %dma_start3A_30 = tpu.memref_slice %arg6[%add3A_27, %dma_start3A_29] : memref<80x128xi32, #tpu.memory_space<vmem>> -> memref<1x128xi32, #tpu.memory_space<vmem>>
      %dma_start3A_31 = tpu.memref_squeeze %dma_start3A_30 : memref<1x128xi32, #tpu.memory_space<vmem>> -> memref<128xi32, #tpu.memory_space<vmem>>
      %dma_start3A_32 = arith.constant 0 : i32
      %dma_start3A_33 = arith.constant 0 : i32
      %dma_start3A_34 = tpu.memref_slice %arg8[%dma_start3A_32, %dma_start3A_33] : memref<10240x128xf32, #tpu.memory_space<vmem_shared>> -> memref<10240x128xf32, #tpu.memory_space<vmem_shared>>
      %dma_start3A_35 = tpu.memref_slice %arg9[%dma_start3A_28] : memref<8x!tpu.dma_semaphore, #tpu.memory_space<semaphore_mem>> -> memref<1x!tpu.dma_semaphore, #tpu.memory_space<semaphore_mem>>
      %dma_start3A_36 = tpu.memref_squeeze %dma_start3A_35 : memref<1x!tpu.dma_semaphore, #tpu.memory_space<semaphore_mem>> -> memref<!tpu.dma_semaphore, #tpu.memory_space<semaphore_mem>>
      tpu.enqueue_indirect_dma source(%arg7 : memref<128x128xf32, #tpu.memory_space<vmem>>) target(%dma_start3A_34 : memref<10240x128xf32, #tpu.memory_space<vmem_shared>>) offsets(%dma_start3A_31 : memref<128xi32, #tpu.memory_space<vmem>>) semaphore(%dma_start3A_36 : memref<!tpu.dma_semaphore, #tpu.memory_space<semaphore_mem>>) {add = true}
      %mul3A_37 = arith.constant 8 : i32
      %mul3A_38 = arith.muli %scan3A_11, %mul3A_37 : i32
      %add3A_39 = arith.constant 2 : i32
      %add3A_40 = arith.addi %mul3A_38, %add3A_39 : i32
      %dma_start3A_41 = arith.constant 2 : i32
      %dma_start3A_42 = arith.constant 0 : i32
      %dma_start3A_43 = tpu.memref_slice %arg6[%add3A_40, %dma_start3A_42] : memref<80x128xi32, #tpu.memory_space<vmem>> -> memref<1x128xi32, #tpu.memory_space<vmem>>
      %dma_start3A_44 = tpu.memref_squeeze %dma_start3A_43 : memref<1x128xi32, #tpu.memory_space<vmem>> -> memref<128xi32, #tpu.memory_space<vmem>>
      %dma_start3A_45 = arith.constant 0 : i32
      %dma_start3A_46 = arith.constant 0 : i32
      %dma_start3A_47 = tpu.memref_slice %arg8[%dma_start3A_45, %dma_start3A_46] : memref<10240x128xf32, #tpu.memory_space<vmem_shared>> -> memref<10240x128xf32, #tpu.memory_space<vmem_shared>>
      %dma_start3A_48 = tpu.memref_slice %arg9[%dma_start3A_41] : memref<8x!tpu.dma_semaphore, #tpu.memory_space<semaphore_mem>> -> memref<1x!tpu.dma_semaphore, #tpu.memory_space<semaphore_mem>>
      %dma_start3A_49 = tpu.memref_squeeze %dma_start3A_48 : memref<1x!tpu.dma_semaphore, #tpu.memory_space<semaphore_mem>> -> memref<!tpu.dma_semaphore, #tpu.memory_space<semaphore_mem>>
      tpu.enqueue_indirect_dma source(%arg7 : memref<128x128xf32, #tpu.memory_space<vmem>>) target(%dma_start3A_47 : memref<10240x128xf32, #tpu.memory_space<vmem_shared>>) offsets(%dma_start3A_44 : memref<128xi32, #tpu.memory_space<vmem>>) semaphore(%dma_start3A_49 : memref<!tpu.dma_semaphore, #tpu.memory_space<semaphore_mem>>) {add = true}
      %mul3A_50 = arith.constant 8 : i32
      %mul3A_51 = arith.muli %scan3A_11, %mul3A_50 : i32
      %add3A_52 = arith.constant 3 : i32
      %add3A_53 = arith.addi %mul3A_51, %add3A_52 : i32
      %dma_start3A_54 = arith.constant 3 : i32
      %dma_start3A_55 = arith.constant 0 : i32
      %dma_start3A_56 = tpu.memref_slice %arg6[%add3A_53, %dma_start3A_55] : memref<80x128xi32, #tpu.memory_space<vmem>> -> memref<1x128xi32, #tpu.memory_space<vmem>>
      %dma_start3A_57 = tpu.memref_squeeze %dma_start3A_56 : memref<1x128xi32, #tpu.memory_space<vmem>> -> memref<128xi32, #tpu.memory_space<vmem>>
      %dma_start3A_58 = arith.constant 0 : i32
      %dma_start3A_59 = arith.constant 0 : i32
      %dma_start3A_60 = tpu.memref_slice %arg8[%dma_start3A_58, %dma_start3A_59] : memref<10240x128xf32, #tpu.memory_space<vmem_shared>> -> memref<10240x128xf32, #tpu.memory_space<vmem_shared>>
      %dma_start3A_61 = tpu.memref_slice %arg9[%dma_start3A_54] : memref<8x!tpu.dma_semaphore, #tpu.memory_space<semaphore_mem>> -> memref<1x!tpu.dma_semaphore, #tpu.memory_space<semaphore_mem>>
      %dma_start3A_62 = tpu.memref_squeeze %dma_start3A_61 : memref<1x!tpu.dma_semaphore, #tpu.memory_space<semaphore_mem>> -> memref<!tpu.dma_semaphore, #tpu.memory_space<semaphore_mem>>
      tpu.enqueue_indirect_dma source(%arg7 : memref<128x128xf32, #tpu.memory_space<vmem>>) target(%dma_start3A_60 : memref<10240x128xf32, #tpu.memory_space<vmem_shared>>) offsets(%dma_start3A_57 : memref<128xi32, #tpu.memory_space<vmem>>) semaphore(%dma_start3A_62 : memref<!tpu.dma_semaphore, #tpu.memory_space<semaphore_mem>>) {add = true}
      %mul3A_63 = arith.constant 8 : i32
      %mul3A_64 = arith.muli %scan3A_11, %mul3A_63 : i32
      %add3A_65 = arith.constant 4 : i32
      %add3A_66 = arith.addi %mul3A_64, %add3A_65 : i32
      %dma_start3A_67 = arith.constant 4 : i32
      %dma_start3A_68 = arith.constant 0 : i32
      %dma_start3A_69 = tpu.memref_slice %arg6[%add3A_66, %dma_start3A_68] : memref<80x128xi32, #tpu.memory_space<vmem>> -> memref<1x128xi32, #tpu.memory_space<vmem>>
      %dma_start3A_70 = tpu.memref_squeeze %dma_start3A_69 : memref<1x128xi32, #tpu.memory_space<vmem>> -> memref<128xi32, #tpu.memory_space<vmem>>
      %dma_start3A_71 = arith.constant 0 : i32
      %dma_start3A_72 = arith.constant 0 : i32
      %dma_start3A_73 = tpu.memref_slice %arg8[%dma_start3A_71, %dma_start3A_72] : memref<10240x128xf32, #tpu.memory_space<vmem_shared>> -> memref<10240x128xf32, #tpu.memory_space<vmem_shared>>
      %dma_start3A_74 = tpu.memref_slice %arg9[%dma_start3A_67] : memref<8x!tpu.dma_semaphore, #tpu.memory_space<semaphore_mem>> -> memref<1x!tpu.dma_semaphore, #tpu.memory_space<semaphore_mem>>
      %dma_start3A_75 = tpu.memref_squeeze %dma_start3A_74 : memref<1x!tpu.dma_semaphore, #tpu.memory_space<semaphore_mem>> -> memref<!tpu.dma_semaphore, #tpu.memory_space<semaphore_mem>>
      tpu.enqueue_indirect_dma source(%arg7 : memref<128x128xf32, #tpu.memory_space<vmem>>) target(%dma_start3A_73 : memref<10240x128xf32, #tpu.memory_space<vmem_shared>>) offsets(%dma_start3A_70 : memref<128xi32, #tpu.memory_space<vmem>>) semaphore(%dma_start3A_75 : memref<!tpu.dma_semaphore, #tpu.memory_space<semaphore_mem>>) {add = true}
      %mul3A_76 = arith.constant 8 : i32
      %mul3A_77 = arith.muli %scan3A_11, %mul3A_76 : i32
      %add3A_78 = arith.constant 5 : i32
      %add3A_79 = arith.addi %mul3A_77, %add3A_78 : i32
      %dma_start3A_80 = arith.constant 5 : i32
      %dma_start3A_81 = arith.constant 0 : i32
      %dma_start3A_82 = tpu.memref_slice %arg6[%add3A_79, %dma_start3A_81] : memref<80x128xi32, #tpu.memory_space<vmem>> -> memref<1x128xi32, #tpu.memory_space<vmem>>
      %dma_start3A_83 = tpu.memref_squeeze %dma_start3A_82 : memref<1x128xi32, #tpu.memory_space<vmem>> -> memref<128xi32, #tpu.memory_space<vmem>>
      %dma_start3A_84 = arith.constant 0 : i32
      %dma_start3A_85 = arith.constant 0 : i32
      %dma_start3A_86 = tpu.memref_slice %arg8[%dma_start3A_84, %dma_start3A_85] : memref<10240x128xf32, #tpu.memory_space<vmem_shared>> -> memref<10240x128xf32, #tpu.memory_space<vmem_shared>>
      %dma_start3A_87 = tpu.memref_slice %arg9[%dma_start3A_80] : memref<8x!tpu.dma_semaphore, #tpu.memory_space<semaphore_mem>> -> memref<1x!tpu.dma_semaphore, #tpu.memory_space<semaphore_mem>>
      %dma_start3A_88 = tpu.memref_squeeze %dma_start3A_87 : memref<1x!tpu.dma_semaphore, #tpu.memory_space<semaphore_mem>> -> memref<!tpu.dma_semaphore, #tpu.memory_space<semaphore_mem>>
      tpu.enqueue_indirect_dma source(%arg7 : memref<128x128xf32, #tpu.memory_space<vmem>>) target(%dma_start3A_86 : memref<10240x128xf32, #tpu.memory_space<vmem_shared>>) offsets(%dma_start3A_83 : memref<128xi32, #tpu.memory_space<vmem>>) semaphore(%dma_start3A_88 : memref<!tpu.dma_semaphore, #tpu.memory_space<semaphore_mem>>) {add = true}
      %mul3A_89 = arith.constant 8 : i32
      %mul3A_90 = arith.muli %scan3A_11, %mul3A_89 : i32
      %add3A_91 = arith.constant 6 : i32
      %add3A_92 = arith.addi %mul3A_90, %add3A_91 : i32
      %dma_start3A_93 = arith.constant 6 : i32
      %dma_start3A_94 = arith.constant 0 : i32
      %dma_start3A_95 = tpu.memref_slice %arg6[%add3A_92, %dma_start3A_94] : memref<80x128xi32, #tpu.memory_space<vmem>> -> memref<1x128xi32, #tpu.memory_space<vmem>>
      %dma_start3A_96 = tpu.memref_squeeze %dma_start3A_95 : memref<1x128xi32, #tpu.memory_space<vmem>> -> memref<128xi32, #tpu.memory_space<vmem>>
      %dma_start3A_97 = arith.constant 0 : i32
      %dma_start3A_98 = arith.constant 0 : i32
      %dma_start3A_99 = tpu.memref_slice %arg8[%dma_start3A_97, %dma_start3A_98] : memref<10240x128xf32, #tpu.memory_space<vmem_shared>> -> memref<10240x128xf32, #tpu.memory_space<vmem_shared>>
      %dma_start3A_100 = tpu.memref_slice %arg9[%dma_start3A_93] : memref<8x!tpu.dma_semaphore, #tpu.memory_space<semaphore_mem>> -> memref<1x!tpu.dma_semaphore, #tpu.memory_space<semaphore_mem>>
      %dma_start3A_101 = tpu.memref_squeeze %dma_start3A_100 : memref<1x!tpu.dma_semaphore, #tpu.memory_space<semaphore_mem>> -> memref<!tpu.dma_semaphore, #tpu.memory_space<semaphore_mem>>
      tpu.enqueue_indirect_dma source(%arg7 : memref<128x128xf32, #tpu.memory_space<vmem>>) target(%dma_start3A_99 : memref<10240x128xf32, #tpu.memory_space<vmem_shared>>) offsets(%dma_start3A_96 : memref<128xi32, #tpu.memory_space<vmem>>) semaphore(%dma_start3A_101 : memref<!tpu.dma_semaphore, #tpu.memory_space<semaphore_mem>>) {add = true}
      %mul3A_102 = arith.constant 8 : i32
      %mul3A_103 = arith.muli %scan3A_11, %mul3A_102 : i32
      %add3A_104 = arith.constant 7 : i32
      %add3A_105 = arith.addi %mul3A_103, %add3A_104 : i32
      %dma_start3A_106 = arith.constant 7 : i32
      %dma_start3A_107 = arith.constant 0 : i32
      %dma_start3A_108 = tpu.memref_slice %arg6[%add3A_105, %dma_start3A_107] : memref<80x128xi32, #tpu.memory_space<vmem>> -> memref<1x128xi32, #tpu.memory_space<vmem>>
      %dma_start3A_109 = tpu.memref_squeeze %dma_start3A_108 : memref<1x128xi32, #tpu.memory_space<vmem>> -> memref<128xi32, #tpu.memory_space<vmem>>
      %dma_start3A_110 = arith.constant 0 : i32
      %dma_start3A_111 = arith.constant 0 : i32
      %dma_start3A_112 = tpu.memref_slice %arg8[%dma_start3A_110, %dma_start3A_111] : memref<10240x128xf32, #tpu.memory_space<vmem_shared>> -> memref<10240x128xf32, #tpu.memory_space<vmem_shared>>
      %dma_start3A_113 = tpu.memref_slice %arg9[%dma_start3A_106] : memref<8x!tpu.dma_semaphore, #tpu.memory_space<semaphore_mem>> -> memref<1x!tpu.dma_semaphore, #tpu.memory_space<semaphore_mem>>
      %dma_start3A_114 = tpu.memref_squeeze %dma_start3A_113 : memref<1x!tpu.dma_semaphore, #tpu.memory_space<semaphore_mem>> -> memref<!tpu.dma_semaphore, #tpu.memory_space<semaphore_mem>>
      tpu.enqueue_indirect_dma source(%arg7 : memref<128x128xf32, #tpu.memory_space<vmem>>) target(%dma_start3A_112 : memref<10240x128xf32, #tpu.memory_space<vmem_shared>>) offsets(%dma_start3A_109 : memref<128xi32, #tpu.memory_space<vmem>>) semaphore(%dma_start3A_114 : memref<!tpu.dma_semaphore, #tpu.memory_space<semaphore_mem>>) {add = true}
      %dma_wait3A = arith.constant 0 : i32
      %dma_wait3A_115 = arith.constant 0 : i32
      %dma_wait3A_116 = arith.constant 0 : i32
      %dma_wait3A_117 = tpu.memref_slice %arg6[%dma_wait3A, %dma_wait3A_116] : memref<80x128xi32, #tpu.memory_space<vmem>> -> memref<1x128xi32, #tpu.memory_space<vmem>>
      %dma_wait3A_118 = tpu.memref_squeeze %dma_wait3A_117 : memref<1x128xi32, #tpu.memory_space<vmem>> -> memref<128xi32, #tpu.memory_space<vmem>>
      %dma_wait3A_119 = arith.constant 0 : i32
      %dma_wait3A_120 = arith.constant 0 : i32
      %dma_wait3A_121 = tpu.memref_slice %arg8[%dma_wait3A_119, %dma_wait3A_120] : memref<10240x128xf32, #tpu.memory_space<vmem_shared>> -> memref<10240x128xf32, #tpu.memory_space<vmem_shared>>
      %dma_wait3A_122 = tpu.memref_slice %arg9[%dma_wait3A_115] : memref<8x!tpu.dma_semaphore, #tpu.memory_space<semaphore_mem>> -> memref<1x!tpu.dma_semaphore, #tpu.memory_space<semaphore_mem>>
      %dma_wait3A_123 = tpu.memref_squeeze %dma_wait3A_122 : memref<1x!tpu.dma_semaphore, #tpu.memory_space<semaphore_mem>> -> memref<!tpu.dma_semaphore, #tpu.memory_space<semaphore_mem>>
      tpu.wait_indirect_dma semaphore(%dma_wait3A_123 : memref<!tpu.dma_semaphore, #tpu.memory_space<semaphore_mem>>) src(%arg7 : memref<128x128xf32, #tpu.memory_space<vmem>>) dst(%dma_wait3A_121 : memref<10240x128xf32, #tpu.memory_space<vmem_shared>>)
      %dma_wait3A_124 = arith.constant 0 : i32
      %dma_wait3A_125 = arith.constant 1 : i32
      %dma_wait3A_126 = arith.constant 0 : i32
      %dma_wait3A_127 = tpu.memref_slice %arg6[%dma_wait3A_124, %dma_wait3A_126] : memref<80x128xi32, #tpu.memory_space<vmem>> -> memref<1x128xi32, #tpu.memory_space<vmem>>
      %dma_wait3A_128 = tpu.memref_squeeze %dma_wait3A_127 : memref<1x128xi32, #tpu.memory_space<vmem>> -> memref<128xi32, #tpu.memory_space<vmem>>
      %dma_wait3A_129 = arith.constant 0 : i32
      %dma_wait3A_130 = arith.constant 0 : i32
      %dma_wait3A_131 = tpu.memref_slice %arg8[%dma_wait3A_129, %dma_wait3A_130] : memref<10240x128xf32, #tpu.memory_space<vmem_shared>> -> memref<10240x128xf32, #tpu.memory_space<vmem_shared>>
      %dma_wait3A_132 = tpu.memref_slice %arg9[%dma_wait3A_125] : memref<8x!tpu.dma_semaphore, #tpu.memory_space<semaphore_mem>> -> memref<1x!tpu.dma_semaphore, #tpu.memory_space<semaphore_mem>>
      %dma_wait3A_133 = tpu.memref_squeeze %dma_wait3A_132 : memref<1x!tpu.dma_semaphore, #tpu.memory_space<semaphore_mem>> -> memref<!tpu.dma_semaphore, #tpu.memory_space<semaphore_mem>>
      tpu.wait_indirect_dma semaphore(%dma_wait3A_133 : memref<!tpu.dma_semaphore, #tpu.memory_space<semaphore_mem>>) src(%arg7 : memref<128x128xf32, #tpu.memory_space<vmem>>) dst(%dma_wait3A_131 : memref<10240x128xf32, #tpu.memory_space<vmem_shared>>)
      %dma_wait3A_134 = arith.constant 0 : i32
      %dma_wait3A_135 = arith.constant 2 : i32
      %dma_wait3A_136 = arith.constant 0 : i32
      %dma_wait3A_137 = tpu.memref_slice %arg6[%dma_wait3A_134, %dma_wait3A_136] : memref<80x128xi32, #tpu.memory_space<vmem>> -> memref<1x128xi32, #tpu.memory_space<vmem>>
      %dma_wait3A_138 = tpu.memref_squeeze %dma_wait3A_137 : memref<1x128xi32, #tpu.memory_space<vmem>> -> memref<128xi32, #tpu.memory_space<vmem>>
      %dma_wait3A_139 = arith.constant 0 : i32
      %dma_wait3A_140 = arith.constant 0 : i32
      %dma_wait3A_141 = tpu.memref_slice %arg8[%dma_wait3A_139, %dma_wait3A_140] : memref<10240x128xf32, #tpu.memory_space<vmem_shared>> -> memref<10240x128xf32, #tpu.memory_space<vmem_shared>>
      %dma_wait3A_142 = tpu.memref_slice %arg9[%dma_wait3A_135] : memref<8x!tpu.dma_semaphore, #tpu.memory_space<semaphore_mem>> -> memref<1x!tpu.dma_semaphore, #tpu.memory_space<semaphore_mem>>
      %dma_wait3A_143 = tpu.memref_squeeze %dma_wait3A_142 : memref<1x!tpu.dma_semaphore, #tpu.memory_space<semaphore_mem>> -> memref<!tpu.dma_semaphore, #tpu.memory_space<semaphore_mem>>
      tpu.wait_indirect_dma semaphore(%dma_wait3A_143 : memref<!tpu.dma_semaphore, #tpu.memory_space<semaphore_mem>>) src(%arg7 : memref<128x128xf32, #tpu.memory_space<vmem>>) dst(%dma_wait3A_141 : memref<10240x128xf32, #tpu.memory_space<vmem_shared>>)
      %dma_wait3A_144 = arith.constant 0 : i32
      %dma_wait3A_145 = arith.constant 3 : i32
      %dma_wait3A_146 = arith.constant 0 : i32
      %dma_wait3A_147 = tpu.memref_slice %arg6[%dma_wait3A_144, %dma_wait3A_146] : memref<80x128xi32, #tpu.memory_space<vmem>> -> memref<1x128xi32, #tpu.memory_space<vmem>>
      %dma_wait3A_148 = tpu.memref_squeeze %dma_wait3A_147 : memref<1x128xi32, #tpu.memory_space<vmem>> -> memref<128xi32, #tpu.memory_space<vmem>>
      %dma_wait3A_149 = arith.constant 0 : i32
      %dma_wait3A_150 = arith.constant 0 : i32
      %dma_wait3A_151 = tpu.memref_slice %arg8[%dma_wait3A_149, %dma_wait3A_150] : memref<10240x128xf32, #tpu.memory_space<vmem_shared>> -> memref<10240x128xf32, #tpu.memory_space<vmem_shared>>
      %dma_wait3A_152 = tpu.memref_slice %arg9[%dma_wait3A_145] : memref<8x!tpu.dma_semaphore, #tpu.memory_space<semaphore_mem>> -> memref<1x!tpu.dma_semaphore, #tpu.memory_space<semaphore_mem>>
      %dma_wait3A_153 = tpu.memref_squeeze %dma_wait3A_152 : memref<1x!tpu.dma_semaphore, #tpu.memory_space<semaphore_mem>> -> memref<!tpu.dma_semaphore, #tpu.memory_space<semaphore_mem>>
      tpu.wait_indirect_dma semaphore(%dma_wait3A_153 : memref<!tpu.dma_semaphore, #tpu.memory_space<semaphore_mem>>) src(%arg7 : memref<128x128xf32, #tpu.memory_space<vmem>>) dst(%dma_wait3A_151 : memref<10240x128xf32, #tpu.memory_space<vmem_shared>>)
      %dma_wait3A_154 = arith.constant 0 : i32
      %dma_wait3A_155 = arith.constant 4 : i32
      %dma_wait3A_156 = arith.constant 0 : i32
      %dma_wait3A_157 = tpu.memref_slice %arg6[%dma_wait3A_154, %dma_wait3A_156] : memref<80x128xi32, #tpu.memory_space<vmem>> -> memref<1x128xi32, #tpu.memory_space<vmem>>
      %dma_wait3A_158 = tpu.memref_squeeze %dma_wait3A_157 : memref<1x128xi32, #tpu.memory_space<vmem>> -> memref<128xi32, #tpu.memory_space<vmem>>
      %dma_wait3A_159 = arith.constant 0 : i32
      %dma_wait3A_160 = arith.constant 0 : i32
      %dma_wait3A_161 = tpu.memref_slice %arg8[%dma_wait3A_159, %dma_wait3A_160] : memref<10240x128xf32, #tpu.memory_space<vmem_shared>> -> memref<10240x128xf32, #tpu.memory_space<vmem_shared>>
      %dma_wait3A_162 = tpu.memref_slice %arg9[%dma_wait3A_155] : memref<8x!tpu.dma_semaphore, #tpu.memory_space<semaphore_mem>> -> memref<1x!tpu.dma_semaphore, #tpu.memory_space<semaphore_mem>>
      %dma_wait3A_163 = tpu.memref_squeeze %dma_wait3A_162 : memref<1x!tpu.dma_semaphore, #tpu.memory_space<semaphore_mem>> -> memref<!tpu.dma_semaphore, #tpu.memory_space<semaphore_mem>>
      tpu.wait_indirect_dma semaphore(%dma_wait3A_163 : memref<!tpu.dma_semaphore, #tpu.memory_space<semaphore_mem>>) src(%arg7 : memref<128x128xf32, #tpu.memory_space<vmem>>) dst(%dma_wait3A_161 : memref<10240x128xf32, #tpu.memory_space<vmem_shared>>)
      %dma_wait3A_164 = arith.constant 0 : i32
      %dma_wait3A_165 = arith.constant 5 : i32
      %dma_wait3A_166 = arith.constant 0 : i32
      %dma_wait3A_167 = tpu.memref_slice %arg6[%dma_wait3A_164, %dma_wait3A_166] : memref<80x128xi32, #tpu.memory_space<vmem>> -> memref<1x128xi32, #tpu.memory_space<vmem>>
      %dma_wait3A_168 = tpu.memref_squeeze %dma_wait3A_167 : memref<1x128xi32, #tpu.memory_space<vmem>> -> memref<128xi32, #tpu.memory_space<vmem>>
      %dma_wait3A_169 = arith.constant 0 : i32
      %dma_wait3A_170 = arith.constant 0 : i32
      %dma_wait3A_171 = tpu.memref_slice %arg8[%dma_wait3A_169, %dma_wait3A_170] : memref<10240x128xf32, #tpu.memory_space<vmem_shared>> -> memref<10240x128xf32, #tpu.memory_space<vmem_shared>>
      %dma_wait3A_172 = tpu.memref_slice %arg9[%dma_wait3A_165] : memref<8x!tpu.dma_semaphore, #tpu.memory_space<semaphore_mem>> -> memref<1x!tpu.dma_semaphore, #tpu.memory_space<semaphore_mem>>
      %dma_wait3A_173 = tpu.memref_squeeze %dma_wait3A_172 : memref<1x!tpu.dma_semaphore, #tpu.memory_space<semaphore_mem>> -> memref<!tpu.dma_semaphore, #tpu.memory_space<semaphore_mem>>
      tpu.wait_indirect_dma semaphore(%dma_wait3A_173 : memref<!tpu.dma_semaphore, #tpu.memory_space<semaphore_mem>>) src(%arg7 : memref<128x128xf32, #tpu.memory_space<vmem>>) dst(%dma_wait3A_171 : memref<10240x128xf32, #tpu.memory_space<vmem_shared>>)
      %dma_wait3A_174 = arith.constant 0 : i32
      %dma_wait3A_175 = arith.constant 6 : i32
      %dma_wait3A_176 = arith.constant 0 : i32
      %dma_wait3A_177 = tpu.memref_slice %arg6[%dma_wait3A_174, %dma_wait3A_176] : memref<80x128xi32, #tpu.memory_space<vmem>> -> memref<1x128xi32, #tpu.memory_space<vmem>>
      %dma_wait3A_178 = tpu.memref_squeeze %dma_wait3A_177 : memref<1x128xi32, #tpu.memory_space<vmem>> -> memref<128xi32, #tpu.memory_space<vmem>>
      %dma_wait3A_179 = arith.constant 0 : i32
      %dma_wait3A_180 = arith.constant 0 : i32
      %dma_wait3A_181 = tpu.memref_slice %arg8[%dma_wait3A_179, %dma_wait3A_180] : memref<10240x128xf32, #tpu.memory_space<vmem_shared>> -> memref<10240x128xf32, #tpu.memory_space<vmem_shared>>
      %dma_wait3A_182 = tpu.memref_slice %arg9[%dma_wait3A_175] : memref<8x!tpu.dma_semaphore, #tpu.memory_space<semaphore_mem>> -> memref<1x!tpu.dma_semaphore, #tpu.memory_space<semaphore_mem>>
      %dma_wait3A_183 = tpu.memref_squeeze %dma_wait3A_182 : memref<1x!tpu.dma_semaphore, #tpu.memory_space<semaphore_mem>> -> memref<!tpu.dma_semaphore, #tpu.memory_space<semaphore_mem>>
      tpu.wait_indirect_dma semaphore(%dma_wait3A_183 : memref<!tpu.dma_semaphore, #tpu.memory_space<semaphore_mem>>) src(%arg7 : memref<128x128xf32, #tpu.memory_space<vmem>>) dst(%dma_wait3A_181 : memref<10240x128xf32, #tpu.memory_space<vmem_shared>>)
      %dma_wait3A_184 = arith.constant 0 : i32
      %dma_wait3A_185 = arith.constant 7 : i32
      %dma_wait3A_186 = arith.constant 0 : i32
      %dma_wait3A_187 = tpu.memref_slice %arg6[%dma_wait3A_184, %dma_wait3A_186] : memref<80x128xi32, #tpu.memory_space<vmem>> -> memref<1x128xi32, #tpu.memory_space<vmem>>
      %dma_wait3A_188 = tpu.memref_squeeze %dma_wait3A_187 : memref<1x128xi32, #tpu.memory_space<vmem>> -> memref<128xi32, #tpu.memory_space<vmem>>
      %dma_wait3A_189 = arith.constant 0 : i32
      %dma_wait3A_190 = arith.constant 0 : i32
      %dma_wait3A_191 = tpu.memref_slice %arg8[%dma_wait3A_189, %dma_wait3A_190] : memref<10240x128xf32, #tpu.memory_space<vmem_shared>> -> memref<10240x128xf32, #tpu.memory_space<vmem_shared>>
      %dma_wait3A_192 = tpu.memref_slice %arg9[%dma_wait3A_185] : memref<8x!tpu.dma_semaphore, #tpu.memory_space<semaphore_mem>> -> memref<1x!tpu.dma_semaphore, #tpu.memory_space<semaphore_mem>>
      %dma_wait3A_193 = tpu.memref_squeeze %dma_wait3A_192 : memref<1x!tpu.dma_semaphore, #tpu.memory_space<semaphore_mem>> -> memref<!tpu.dma_semaphore, #tpu.memory_space<semaphore_mem>>
      tpu.wait_indirect_dma semaphore(%dma_wait3A_193 : memref<!tpu.dma_semaphore, #tpu.memory_space<semaphore_mem>>) src(%arg7 : memref<128x128xf32, #tpu.memory_space<vmem>>) dst(%dma_wait3A_191 : memref<10240x128xf32, #tpu.memory_space<vmem_shared>>)
    }
    %scan3A_9 = arith.constant 10 : i32
    %barrier3A_10 = arith.constant 0 : index
    tpu.barrier barrier_id(%barrier3A_10)
    "tpu.region"() ({
      %run_scoped3A = tpu.sem_alloc : memref<!tpu.dma_semaphore, #tpu.memory_space<semaphore_mem>>
      %dma_start3A = arith.constant 0 : i32
      %dma_start3A_11 = arith.constant 0 : i32
      %dma_start3A_12 = tpu.memref_slice %arg5[%arg0, %dma_start3A, %dma_start3A_11] : memref<2x10240x128xf32, #tpu.memory_space<hbm>> -> memref<1x10240x128xf32, #tpu.memory_space<hbm>>
      %dma_start3A_13 = tpu.memref_squeeze %dma_start3A_12 : memref<1x10240x128xf32, #tpu.memory_space<hbm>> -> memref<10240x128xf32, #tpu.memory_space<hbm>>
      %dma_start3A_14 = arith.constant 0 : i32
      %dma_start3A_15 = tpu.memref_slice %dma_start3A_13[%multiple_of3A, %dma_start3A_14] : memref<10240x128xf32, #tpu.memory_space<hbm>> -> memref<640x128xf32, #tpu.memory_space<hbm>>
      %dma_start3A_16 = arith.constant 0 : i32
      %dma_start3A_17 = tpu.memref_slice %arg8[%multiple_of3A, %dma_start3A_16] : memref<10240x128xf32, #tpu.memory_space<vmem_shared>> -> memref<640x128xf32, #tpu.memory_space<vmem_shared>>
      tpu.enqueue_dma source(%dma_start3A_17 : memref<640x128xf32, #tpu.memory_space<vmem_shared>>) target(%dma_start3A_15 : memref<640x128xf32, #tpu.memory_space<hbm>>) target_semaphore(%run_scoped3A : memref<!tpu.dma_semaphore, #tpu.memory_space<semaphore_mem>>)
      %dma_wait3A = arith.constant 0 : i32
      %dma_wait3A_18 = arith.constant 0 : i32
      %dma_wait3A_19 = tpu.memref_slice %arg5[%arg0, %dma_wait3A, %dma_wait3A_18] : memref<2x10240x128xf32, #tpu.memory_space<hbm>> -> memref<1x10240x128xf32, #tpu.memory_space<hbm>>
      %dma_wait3A_20 = tpu.memref_squeeze %dma_wait3A_19 : memref<1x10240x128xf32, #tpu.memory_space<hbm>> -> memref<10240x128xf32, #tpu.memory_space<hbm>>
      %dma_wait3A_21 = arith.constant 0 : i32
      %dma_wait3A_22 = tpu.memref_slice %dma_wait3A_20[%multiple_of3A, %dma_wait3A_21] : memref<10240x128xf32, #tpu.memory_space<hbm>> -> memref<640x128xf32, #tpu.memory_space<hbm>>
      %dma_wait3A_23 = arith.constant 0 : i32
      %dma_wait3A_24 = tpu.memref_slice %arg8[%multiple_of3A, %dma_wait3A_23] : memref<10240x128xf32, #tpu.memory_space<vmem_shared>> -> memref<640x128xf32, #tpu.memory_space<vmem_shared>>
      tpu.wait_dma2 semaphore(%run_scoped3A : memref<!tpu.dma_semaphore, #tpu.memory_space<semaphore_mem>>) src(%dma_wait3A_24 : memref<640x128xf32, #tpu.memory_space<vmem_shared>>) dst(%dma_wait3A_22 : memref<640x128xf32, #tpu.memory_space<hbm>>)
      tpu.yield
    }) : () -> ()
    return
  }
}

#map = affine_map<(d0, d1) -> (0, 0)>
#map1 = affine_map<(d0, d1) -> (0, 0, 0)>
module attributes {stable_mosaic.version = 14 : i64} {
  func.func @agg_k(%arg0: i32, %arg1: i32, %arg2: memref<10240x128xf32, #tpu.memory_space<hbm>>, %arg3: memref<2560x128xi32, #tpu.memory_space<hbm>>, %arg4: memref<2560x128xi32, #tpu.memory_space<hbm>>, %arg5: memref<640x128xf32, #tpu.memory_space<hbm>>, %arg6: memref<2x10240x128xf32, #tpu.memory_space<hbm>>, %arg7: memref<40x128xi32, #tpu.memory_space<vmem>>, %arg8: memref<40x128xi32, #tpu.memory_space<vmem>>, %arg9: memref<2x128x128xf32, #tpu.memory_space<vmem>>, %arg10: memref<10240x128xf32, #tpu.memory_space<vmem_shared>>, %arg11: memref<2x!tpu.dma_semaphore, #tpu.memory_space<semaphore_mem>>, %arg12: memref<2x!tpu.dma_semaphore, #tpu.memory_space<semaphore_mem>>) attributes {dimension_semantics = [#tpu.dimension_semantics<core_parallel>, #tpu.dimension_semantics<subcore_parallel>], iteration_bounds = array<i64: 2, 16>, scalar_prefetch = 0 : i64, scratch_operands = 6 : i64, tpu.core_type = #tpu.core_type<sc_vector_subcore>, window_params = [{transform_indices = #map}, {transform_indices = #map}, {transform_indices = #map}, {transform_indices = #map}, {transform_indices = #map1}]} {
    %mul3A = arith.constant 640 : i32
    %mul3A_0 = arith.muli %arg1, %mul3A : i32
    %multiple_of3A = tpu.assume_multiple %mul3A_0, 8 : i32
    "tpu.region"() ({
      %run_scoped3A = tpu.sem_alloc : memref<!tpu.dma_semaphore, #tpu.memory_space<semaphore_mem>>
      %dma_start3A = arith.constant 0 : i32
      %dma_start3A_4 = tpu.memref_slice %arg10[%multiple_of3A, %dma_start3A] : memref<10240x128xf32, #tpu.memory_space<vmem_shared>> -> memref<640x128xf32, #tpu.memory_space<vmem_shared>>
      tpu.enqueue_dma source(%arg5 : memref<640x128xf32, #tpu.memory_space<hbm>>) target(%dma_start3A_4 : memref<640x128xf32, #tpu.memory_space<vmem_shared>>) target_semaphore(%run_scoped3A : memref<!tpu.dma_semaphore, #tpu.memory_space<semaphore_mem>>)
      %dma_wait3A = arith.constant 0 : i32
      %dma_wait3A_5 = tpu.memref_slice %arg10[%multiple_of3A, %dma_wait3A] : memref<10240x128xf32, #tpu.memory_space<vmem_shared>> -> memref<640x128xf32, #tpu.memory_space<vmem_shared>>
      tpu.wait_dma2 semaphore(%run_scoped3A : memref<!tpu.dma_semaphore, #tpu.memory_space<semaphore_mem>>) src(%arg5 : memref<640x128xf32, #tpu.memory_space<hbm>>) dst(%dma_wait3A_5 : memref<640x128xf32, #tpu.memory_space<vmem_shared>>)
      tpu.yield
    }) : () -> ()
    %barrier3A = arith.constant 0 : index
    tpu.barrier barrier_id(%barrier3A)
    %eq3A = arith.constant 0 : i32
    %eq3A_1 = arith.cmpi eq, %arg0, %eq3A : i32
    %convert_element_type3A = arith.extui %eq3A_1 : i1 to i32
    %cond3A = arith.constant 0 : i32
    %cond3A_2 = arith.cmpi ne, %convert_element_type3A, %cond3A : i32
    scf.if %cond3A_2 {
      %mul3A_4 = arith.constant 160 : i32
      %mul3A_5 = arith.muli %arg1, %mul3A_4 : i32
      %scan3A = arith.constant 0 : i32
      %scan3A_6 = arith.constant 0 : i32
      %scan3A_7 = arith.constant 4 : i32
      %scan3A_8 = arith.addi %scan3A_6, %scan3A_7 : i32
      %scan3A_9 = arith.constant 1 : i32
      scf.for %scan3A_11 = %scan3A_6 to %scan3A_8 step %scan3A_9  : i32 {
        %mul3A_12 = arith.constant 40 : i32
        %mul3A_13 = arith.muli %scan3A_11, %mul3A_12 : i32
        %add3A = arith.addi %mul3A_5, %mul3A_13 : i32
        %multiple_of3A_14 = tpu.assume_multiple %add3A, 8 : i32
        "tpu.region"() ({
          %run_scoped3A = tpu.sem_alloc : memref<!tpu.dma_semaphore, #tpu.memory_space<semaphore_mem>>
          %dma_start3A_50 = arith.constant 0 : i32
          %dma_start3A_51 = arith.constant 0 : i32
          %dma_start3A_52 = tpu.memref_slice %arg7[%dma_start3A_50, %dma_start3A_51] : memref<40x128xi32, #tpu.memory_space<vmem>> -> memref<40x128xi32, #tpu.memory_space<vmem>>
          %dma_start3A_53 = arith.constant 0 : i32
          %dma_start3A_54 = tpu.memref_slice %arg3[%multiple_of3A_14, %dma_start3A_53] : memref<2560x128xi32, #tpu.memory_space<hbm>> -> memref<40x128xi32, #tpu.memory_space<hbm>>
          %dma_start3A_55 = arith.constant 0 : i32
          %dma_start3A_56 = arith.constant 0 : i32
          %dma_start3A_57 = tpu.memref_slice %arg7[%dma_start3A_55, %dma_start3A_56] : memref<40x128xi32, #tpu.memory_space<vmem>> -> memref<40x128xi32, #tpu.memory_space<vmem>>
          %dma_start3A_58 = arith.constant 0 : i32
          %dma_start3A_59 = tpu.memref_slice %arg3[%multiple_of3A_14, %dma_start3A_58] : memref<2560x128xi32, #tpu.memory_space<hbm>> -> memref<40x128xi32, #tpu.memory_space<hbm>>
          tpu.enqueue_dma source(%dma_start3A_59 : memref<40x128xi32, #tpu.memory_space<hbm>>) target(%dma_start3A_57 : memref<40x128xi32, #tpu.memory_space<vmem>>) target_semaphore(%run_scoped3A : memref<!tpu.dma_semaphore, #tpu.memory_space<semaphore_mem>>)
          %dma_wait3A = arith.constant 0 : i32
          %dma_wait3A_60 = arith.constant 0 : i32
          %dma_wait3A_61 = tpu.memref_slice %arg7[%dma_wait3A, %dma_wait3A_60] : memref<40x128xi32, #tpu.memory_space<vmem>> -> memref<40x128xi32, #tpu.memory_space<vmem>>
          %dma_wait3A_62 = arith.constant 0 : i32
          %dma_wait3A_63 = tpu.memref_slice %arg3[%multiple_of3A_14, %dma_wait3A_62] : memref<2560x128xi32, #tpu.memory_space<hbm>> -> memref<40x128xi32, #tpu.memory_space<hbm>>
          %dma_wait3A_64 = arith.constant 0 : i32
          %dma_wait3A_65 = arith.constant 0 : i32
          %dma_wait3A_66 = tpu.memref_slice %arg7[%dma_wait3A_64, %dma_wait3A_65] : memref<40x128xi32, #tpu.memory_space<vmem>> -> memref<40x128xi32, #tpu.memory_space<vmem>>
          %dma_wait3A_67 = arith.constant 0 : i32
          %dma_wait3A_68 = tpu.memref_slice %arg3[%multiple_of3A_14, %dma_wait3A_67] : memref<2560x128xi32, #tpu.memory_space<hbm>> -> memref<40x128xi32, #tpu.memory_space<hbm>>
          tpu.wait_dma2 semaphore(%run_scoped3A : memref<!tpu.dma_semaphore, #tpu.memory_space<semaphore_mem>>) src(%dma_wait3A_68 : memref<40x128xi32, #tpu.memory_space<hbm>>) dst(%dma_wait3A_66 : memref<40x128xi32, #tpu.memory_space<vmem>>)
          tpu.yield
        }) : () -> ()
        "tpu.region"() ({
          %run_scoped3A = tpu.sem_alloc : memref<!tpu.dma_semaphore, #tpu.memory_space<semaphore_mem>>
          %dma_start3A_50 = arith.constant 0 : i32
          %dma_start3A_51 = arith.constant 0 : i32
          %dma_start3A_52 = tpu.memref_slice %arg8[%dma_start3A_50, %dma_start3A_51] : memref<40x128xi32, #tpu.memory_space<vmem>> -> memref<40x128xi32, #tpu.memory_space<vmem>>
          %dma_start3A_53 = arith.constant 0 : i32
          %dma_start3A_54 = tpu.memref_slice %arg4[%multiple_of3A_14, %dma_start3A_53] : memref<2560x128xi32, #tpu.memory_space<hbm>> -> memref<40x128xi32, #tpu.memory_space<hbm>>
          %dma_start3A_55 = arith.constant 0 : i32
          %dma_start3A_56 = arith.constant 0 : i32
          %dma_start3A_57 = tpu.memref_slice %arg8[%dma_start3A_55, %dma_start3A_56] : memref<40x128xi32, #tpu.memory_space<vmem>> -> memref<40x128xi32, #tpu.memory_space<vmem>>
          %dma_start3A_58 = arith.constant 0 : i32
          %dma_start3A_59 = tpu.memref_slice %arg4[%multiple_of3A_14, %dma_start3A_58] : memref<2560x128xi32, #tpu.memory_space<hbm>> -> memref<40x128xi32, #tpu.memory_space<hbm>>
          tpu.enqueue_dma source(%dma_start3A_59 : memref<40x128xi32, #tpu.memory_space<hbm>>) target(%dma_start3A_57 : memref<40x128xi32, #tpu.memory_space<vmem>>) target_semaphore(%run_scoped3A : memref<!tpu.dma_semaphore, #tpu.memory_space<semaphore_mem>>)
          %dma_wait3A = arith.constant 0 : i32
          %dma_wait3A_60 = arith.constant 0 : i32
          %dma_wait3A_61 = tpu.memref_slice %arg8[%dma_wait3A, %dma_wait3A_60] : memref<40x128xi32, #tpu.memory_space<vmem>> -> memref<40x128xi32, #tpu.memory_space<vmem>>
          %dma_wait3A_62 = arith.constant 0 : i32
          %dma_wait3A_63 = tpu.memref_slice %arg4[%multiple_of3A_14, %dma_wait3A_62] : memref<2560x128xi32, #tpu.memory_space<hbm>> -> memref<40x128xi32, #tpu.memory_space<hbm>>
          %dma_wait3A_64 = arith.constant 0 : i32
          %dma_wait3A_65 = arith.constant 0 : i32
          %dma_wait3A_66 = tpu.memref_slice %arg8[%dma_wait3A_64, %dma_wait3A_65] : memref<40x128xi32, #tpu.memory_space<vmem>> -> memref<40x128xi32, #tpu.memory_space<vmem>>
          %dma_wait3A_67 = arith.constant 0 : i32
          %dma_wait3A_68 = tpu.memref_slice %arg4[%multiple_of3A_14, %dma_wait3A_67] : memref<2560x128xi32, #tpu.memory_space<hbm>> -> memref<40x128xi32, #tpu.memory_space<hbm>>
          tpu.wait_dma2 semaphore(%run_scoped3A : memref<!tpu.dma_semaphore, #tpu.memory_space<semaphore_mem>>) src(%dma_wait3A_68 : memref<40x128xi32, #tpu.memory_space<hbm>>) dst(%dma_wait3A_66 : memref<40x128xi32, #tpu.memory_space<vmem>>)
          tpu.yield
        }) : () -> ()
        %dma_start3A = arith.constant 0 : i32
        %dma_start3A_15 = arith.constant 0 : i32
        %dma_start3A_16 = arith.constant 0 : i32
        %dma_start3A_17 = arith.constant 0 : i32
        %dma_start3A_18 = arith.constant 0 : i32
        %dma_start3A_19 = tpu.memref_slice %arg9[%dma_start3A_15, %dma_start3A_17, %dma_start3A_18] : memref<2x128x128xf32, #tpu.memory_space<vmem>> -> memref<1x128x128xf32, #tpu.memory_space<vmem>>
        %dma_start3A_20 = tpu.memref_squeeze %dma_start3A_19 : memref<1x128x128xf32, #tpu.memory_space<vmem>> -> memref<128x128xf32, #tpu.memory_space<vmem>>
        %dma_start3A_21 = arith.constant 0 : i32
        %dma_start3A_22 = tpu.memref_slice %arg7[%dma_start3A, %dma_start3A_21] : memref<40x128xi32, #tpu.memory_space<vmem>> -> memref<1x128xi32, #tpu.memory_space<vmem>>
        %dma_start3A_23 = tpu.memref_squeeze %dma_start3A_22 : memref<1x128xi32, #tpu.memory_space<vmem>> -> memref<128xi32, #tpu.memory_space<vmem>>
        %dma_start3A_24 = arith.constant 0 : i32
        %dma_start3A_25 = arith.constant 0 : i32
        %dma_start3A_26 = tpu.memref_slice %arg2[%dma_start3A_24, %dma_start3A_25] : memref<10240x128xf32, #tpu.memory_space<hbm>> -> memref<10240x128xf32, #tpu.memory_space<hbm>>
        %dma_start3A_27 = tpu.memref_slice %arg11[%dma_start3A_16] : memref<2x!tpu.dma_semaphore, #tpu.memory_space<semaphore_mem>> -> memref<1x!tpu.dma_semaphore, #tpu.memory_space<semaphore_mem>>
        %dma_start3A_28 = tpu.memref_squeeze %dma_start3A_27 : memref<1x!tpu.dma_semaphore, #tpu.memory_space<semaphore_mem>> -> memref<!tpu.dma_semaphore, #tpu.memory_space<semaphore_mem>>
        tpu.enqueue_indirect_dma source(%dma_start3A_26 : memref<10240x128xf32, #tpu.memory_space<hbm>>) target(%dma_start3A_20 : memref<128x128xf32, #tpu.memory_space<vmem>>) offsets(%dma_start3A_23 : memref<128xi32, #tpu.memory_space<vmem>>) semaphore(%dma_start3A_28 : memref<!tpu.dma_semaphore, #tpu.memory_space<semaphore_mem>>)
        %dma_start3A_29 = arith.constant 1 : i32
        %dma_start3A_30 = arith.constant 1 : i32
        %dma_start3A_31 = arith.constant 1 : i32
        %dma_start3A_32 = arith.constant 0 : i32
        %dma_start3A_33 = arith.constant 0 : i32
        %dma_start3A_34 = tpu.memref_slice %arg9[%dma_start3A_30, %dma_start3A_32, %dma_start3A_33] : memref<2x128x128xf32, #tpu.memory_space<vmem>> -> memref<1x128x128xf32, #tpu.memory_space<vmem>>
        %dma_start3A_35 = tpu.memref_squeeze %dma_start3A_34 : memref<1x128x128xf32, #tpu.memory_space<vmem>> -> memref<128x128xf32, #tpu.memory_space<vmem>>
        %dma_start3A_36 = arith.constant 0 : i32
        %dma_start3A_37 = tpu.memref_slice %arg7[%dma_start3A_29, %dma_start3A_36] : memref<40x128xi32, #tpu.memory_space<vmem>> -> memref<1x128xi32, #tpu.memory_space<vmem>>
        %dma_start3A_38 = tpu.memref_squeeze %dma_start3A_37 : memref<1x128xi32, #tpu.memory_space<vmem>> -> memref<128xi32, #tpu.memory_space<vmem>>
        %dma_start3A_39 = arith.constant 0 : i32
        %dma_start3A_40 = arith.constant 0 : i32
        %dma_start3A_41 = tpu.memref_slice %arg2[%dma_start3A_39, %dma_start3A_40] : memref<10240x128xf32, #tpu.memory_space<hbm>> -> memref<10240x128xf32, #tpu.memory_space<hbm>>
        %dma_start3A_42 = tpu.memref_slice %arg11[%dma_start3A_31] : memref<2x!tpu.dma_semaphore, #tpu.memory_space<semaphore_mem>> -> memref<1x!tpu.dma_semaphore, #tpu.memory_space<semaphore_mem>>
        %dma_start3A_43 = tpu.memref_squeeze %dma_start3A_42 : memref<1x!tpu.dma_semaphore, #tpu.memory_space<semaphore_mem>> -> memref<!tpu.dma_semaphore, #tpu.memory_space<semaphore_mem>>
        tpu.enqueue_indirect_dma source(%dma_start3A_41 : memref<10240x128xf32, #tpu.memory_space<hbm>>) target(%dma_start3A_35 : memref<128x128xf32, #tpu.memory_space<vmem>>) offsets(%dma_start3A_38 : memref<128xi32, #tpu.memory_space<vmem>>) semaphore(%dma_start3A_43 : memref<!tpu.dma_semaphore, #tpu.memory_space<semaphore_mem>>)
        %scan3A_44 = arith.constant 0 : i32
        %scan3A_45 = arith.constant 0 : i32
        %scan3A_46 = arith.constant 20 : i32
        %scan3A_47 = arith.addi %scan3A_45, %scan3A_46 : i32
        %scan3A_48 = arith.constant 1 : i32
        scf.for %scan3A_50 = %scan3A_45 to %scan3A_47 step %scan3A_48  : i32 {
          %mul3A_51 = arith.constant 2 : i32
          %mul3A_52 = arith.muli %mul3A_51, %scan3A_50 : i32
          %dma_wait3A = arith.constant 0 : i32
          %dma_wait3A_53 = arith.constant 0 : i32
          %dma_wait3A_54 = arith.constant 0 : i32
          %dma_wait3A_55 = arith.constant 0 : i32
          %dma_wait3A_56 = arith.constant 0 : i32
          %dma_wait3A_57 = tpu.memref_slice %arg9[%dma_wait3A_53, %dma_wait3A_55, %dma_wait3A_56] : memref<2x128x128xf32, #tpu.memory_space<vmem>> -> memref<1x128x128xf32, #tpu.memory_space<vmem>>
          %dma_wait3A_58 = tpu.memref_squeeze %dma_wait3A_57 : memref<1x128x128xf32, #tpu.memory_space<vmem>> -> memref<128x128xf32, #tpu.memory_space<vmem>>
          %dma_wait3A_59 = arith.constant 0 : i32
          %dma_wait3A_60 = tpu.memref_slice %arg7[%dma_wait3A, %dma_wait3A_59] : memref<40x128xi32, #tpu.memory_space<vmem>> -> memref<1x128xi32, #tpu.memory_space<vmem>>
          %dma_wait3A_61 = tpu.memref_squeeze %dma_wait3A_60 : memref<1x128xi32, #tpu.memory_space<vmem>> -> memref<128xi32, #tpu.memory_space<vmem>>
          %dma_wait3A_62 = arith.constant 0 : i32
          %dma_wait3A_63 = arith.constant 0 : i32
          %dma_wait3A_64 = tpu.memref_slice %arg2[%dma_wait3A_62, %dma_wait3A_63] : memref<10240x128xf32, #tpu.memory_space<hbm>> -> memref<10240x128xf32, #tpu.memory_space<hbm>>
          %dma_wait3A_65 = tpu.memref_slice %arg11[%dma_wait3A_54] : memref<2x!tpu.dma_semaphore, #tpu.memory_space<semaphore_mem>> -> memref<1x!tpu.dma_semaphore, #tpu.memory_space<semaphore_mem>>
          %dma_wait3A_66 = tpu.memref_squeeze %dma_wait3A_65 : memref<1x!tpu.dma_semaphore, #tpu.memory_space<semaphore_mem>> -> memref<!tpu.dma_semaphore, #tpu.memory_space<semaphore_mem>>
          tpu.wait_indirect_dma semaphore(%dma_wait3A_66 : memref<!tpu.dma_semaphore, #tpu.memory_space<semaphore_mem>>) src(%dma_wait3A_64 : memref<10240x128xf32, #tpu.memory_space<hbm>>) dst(%dma_wait3A_58 : memref<128x128xf32, #tpu.memory_space<vmem>>)
          %add3A_67 = arith.constant 0 : i32
          %add3A_68 = arith.addi %mul3A_52, %add3A_67 : i32
          %dma_start3A_69 = arith.constant 0 : i32
          %dma_start3A_70 = arith.constant 0 : i32
          %dma_start3A_71 = arith.constant 0 : i32
          %dma_start3A_72 = arith.constant 0 : i32
          %dma_start3A_73 = tpu.memref_slice %arg9[%dma_start3A_69, %dma_start3A_71, %dma_start3A_72] : memref<2x128x128xf32, #tpu.memory_space<vmem>> -> memref<1x128x128xf32, #tpu.memory_space<vmem>>
          %dma_start3A_74 = tpu.memref_squeeze %dma_start3A_73 : memref<1x128x128xf32, #tpu.memory_space<vmem>> -> memref<128x128xf32, #tpu.memory_space<vmem>>
          %dma_start3A_75 = arith.constant 0 : i32
          %dma_start3A_76 = tpu.memref_slice %arg8[%add3A_68, %dma_start3A_75] : memref<40x128xi32, #tpu.memory_space<vmem>> -> memref<1x128xi32, #tpu.memory_space<vmem>>
          %dma_start3A_77 = tpu.memref_squeeze %dma_start3A_76 : memref<1x128xi32, #tpu.memory_space<vmem>> -> memref<128xi32, #tpu.memory_space<vmem>>
          %dma_start3A_78 = arith.constant 0 : i32
          %dma_start3A_79 = arith.constant 0 : i32
          %dma_start3A_80 = tpu.memref_slice %arg10[%dma_start3A_78, %dma_start3A_79] : memref<10240x128xf32, #tpu.memory_space<vmem_shared>> -> memref<10240x128xf32, #tpu.memory_space<vmem_shared>>
          %dma_start3A_81 = tpu.memref_slice %arg12[%dma_start3A_70] : memref<2x!tpu.dma_semaphore, #tpu.memory_space<semaphore_mem>> -> memref<1x!tpu.dma_semaphore, #tpu.memory_space<semaphore_mem>>
          %dma_start3A_82 = tpu.memref_squeeze %dma_start3A_81 : memref<1x!tpu.dma_semaphore, #tpu.memory_space<semaphore_mem>> -> memref<!tpu.dma_semaphore, #tpu.memory_space<semaphore_mem>>
          tpu.enqueue_indirect_dma source(%dma_start3A_74 : memref<128x128xf32, #tpu.memory_space<vmem>>) target(%dma_start3A_80 : memref<10240x128xf32, #tpu.memory_space<vmem_shared>>) offsets(%dma_start3A_77 : memref<128xi32, #tpu.memory_space<vmem>>) semaphore(%dma_start3A_82 : memref<!tpu.dma_semaphore, #tpu.memory_space<semaphore_mem>>) {add = true}
          %dma_wait3A_83 = arith.constant 0 : i32
          %dma_wait3A_84 = arith.constant 1 : i32
          %dma_wait3A_85 = arith.constant 1 : i32
          %dma_wait3A_86 = arith.constant 0 : i32
          %dma_wait3A_87 = arith.constant 0 : i32
          %dma_wait3A_88 = tpu.memref_slice %arg9[%dma_wait3A_84, %dma_wait3A_86, %dma_wait3A_87] : memref<2x128x128xf32, #tpu.memory_space<vmem>> -> memref<1x128x128xf32, #tpu.memory_space<vmem>>
          %dma_wait3A_89 = tpu.memref_squeeze %dma_wait3A_88 : memref<1x128x128xf32, #tpu.memory_space<vmem>> -> memref<128x128xf32, #tpu.memory_space<vmem>>
          %dma_wait3A_90 = arith.constant 0 : i32
          %dma_wait3A_91 = tpu.memref_slice %arg7[%dma_wait3A_83, %dma_wait3A_90] : memref<40x128xi32, #tpu.memory_space<vmem>> -> memref<1x128xi32, #tpu.memory_space<vmem>>
          %dma_wait3A_92 = tpu.memref_squeeze %dma_wait3A_91 : memref<1x128xi32, #tpu.memory_space<vmem>> -> memref<128xi32, #tpu.memory_space<vmem>>
          %dma_wait3A_93 = arith.constant 0 : i32
          %dma_wait3A_94 = arith.constant 0 : i32
          %dma_wait3A_95 = tpu.memref_slice %arg2[%dma_wait3A_93, %dma_wait3A_94] : memref<10240x128xf32, #tpu.memory_space<hbm>> -> memref<10240x128xf32, #tpu.memory_space<hbm>>
          %dma_wait3A_96 = tpu.memref_slice %arg11[%dma_wait3A_85] : memref<2x!tpu.dma_semaphore, #tpu.memory_space<semaphore_mem>> -> memref<1x!tpu.dma_semaphore, #tpu.memory_space<semaphore_mem>>
          %dma_wait3A_97 = tpu.memref_squeeze %dma_wait3A_96 : memref<1x!tpu.dma_semaphore, #tpu.memory_space<semaphore_mem>> -> memref<!tpu.dma_semaphore, #tpu.memory_space<semaphore_mem>>
          tpu.wait_indirect_dma semaphore(%dma_wait3A_97 : memref<!tpu.dma_semaphore, #tpu.memory_space<semaphore_mem>>) src(%dma_wait3A_95 : memref<10240x128xf32, #tpu.memory_space<hbm>>) dst(%dma_wait3A_89 : memref<128x128xf32, #tpu.memory_space<vmem>>)
          %add3A_98 = arith.constant 1 : i32
          %add3A_99 = arith.addi %mul3A_52, %add3A_98 : i32
          %dma_start3A_100 = arith.constant 1 : i32
          %dma_start3A_101 = arith.constant 1 : i32
          %dma_start3A_102 = arith.constant 0 : i32
          %dma_start3A_103 = arith.constant 0 : i32
          %dma_start3A_104 = tpu.memref_slice %arg9[%dma_start3A_100, %dma_start3A_102, %dma_start3A_103] : memref<2x128x128xf32, #tpu.memory_space<vmem>> -> memref<1x128x128xf32, #tpu.memory_space<vmem>>
          %dma_start3A_105 = tpu.memref_squeeze %dma_start3A_104 : memref<1x128x128xf32, #tpu.memory_space<vmem>> -> memref<128x128xf32, #tpu.memory_space<vmem>>
          %dma_start3A_106 = arith.constant 0 : i32
          %dma_start3A_107 = tpu.memref_slice %arg8[%add3A_99, %dma_start3A_106] : memref<40x128xi32, #tpu.memory_space<vmem>> -> memref<1x128xi32, #tpu.memory_space<vmem>>
          %dma_start3A_108 = tpu.memref_squeeze %dma_start3A_107 : memref<1x128xi32, #tpu.memory_space<vmem>> -> memref<128xi32, #tpu.memory_space<vmem>>
          %dma_start3A_109 = arith.constant 0 : i32
          %dma_start3A_110 = arith.constant 0 : i32
          %dma_start3A_111 = tpu.memref_slice %arg10[%dma_start3A_109, %dma_start3A_110] : memref<10240x128xf32, #tpu.memory_space<vmem_shared>> -> memref<10240x128xf32, #tpu.memory_space<vmem_shared>>
          %dma_start3A_112 = tpu.memref_slice %arg12[%dma_start3A_101] : memref<2x!tpu.dma_semaphore, #tpu.memory_space<semaphore_mem>> -> memref<1x!tpu.dma_semaphore, #tpu.memory_space<semaphore_mem>>
          %dma_start3A_113 = tpu.memref_squeeze %dma_start3A_112 : memref<1x!tpu.dma_semaphore, #tpu.memory_space<semaphore_mem>> -> memref<!tpu.dma_semaphore, #tpu.memory_space<semaphore_mem>>
          tpu.enqueue_indirect_dma source(%dma_start3A_105 : memref<128x128xf32, #tpu.memory_space<vmem>>) target(%dma_start3A_111 : memref<10240x128xf32, #tpu.memory_space<vmem_shared>>) offsets(%dma_start3A_108 : memref<128xi32, #tpu.memory_space<vmem>>) semaphore(%dma_start3A_113 : memref<!tpu.dma_semaphore, #tpu.memory_space<semaphore_mem>>) {add = true}
          %dma_wait3A_114 = arith.constant 0 : i32
          %dma_wait3A_115 = arith.constant 0 : i32
          %dma_wait3A_116 = arith.constant 0 : i32
          %dma_wait3A_117 = arith.constant 0 : i32
          %dma_wait3A_118 = arith.constant 0 : i32
          %dma_wait3A_119 = tpu.memref_slice %arg9[%dma_wait3A_114, %dma_wait3A_117, %dma_wait3A_118] : memref<2x128x128xf32, #tpu.memory_space<vmem>> -> memref<1x128x128xf32, #tpu.memory_space<vmem>>
          %dma_wait3A_120 = tpu.memref_squeeze %dma_wait3A_119 : memref<1x128x128xf32, #tpu.memory_space<vmem>> -> memref<128x128xf32, #tpu.memory_space<vmem>>
          %dma_wait3A_121 = arith.constant 0 : i32
          %dma_wait3A_122 = tpu.memref_slice %arg8[%dma_wait3A_115, %dma_wait3A_121] : memref<40x128xi32, #tpu.memory_space<vmem>> -> memref<1x128xi32, #tpu.memory_space<vmem>>
          %dma_wait3A_123 = tpu.memref_squeeze %dma_wait3A_122 : memref<1x128xi32, #tpu.memory_space<vmem>> -> memref<128xi32, #tpu.memory_space<vmem>>
          %dma_wait3A_124 = arith.constant 0 : i32
          %dma_wait3A_125 = arith.constant 0 : i32
          %dma_wait3A_126 = tpu.memref_slice %arg10[%dma_wait3A_124, %dma_wait3A_125] : memref<10240x128xf32, #tpu.memory_space<vmem_shared>> -> memref<10240x128xf32, #tpu.memory_space<vmem_shared>>
          %dma_wait3A_127 = tpu.memref_slice %arg12[%dma_wait3A_116] : memref<2x!tpu.dma_semaphore, #tpu.memory_space<semaphore_mem>> -> memref<1x!tpu.dma_semaphore, #tpu.memory_space<semaphore_mem>>
          %dma_wait3A_128 = tpu.memref_squeeze %dma_wait3A_127 : memref<1x!tpu.dma_semaphore, #tpu.memory_space<semaphore_mem>> -> memref<!tpu.dma_semaphore, #tpu.memory_space<semaphore_mem>>
          tpu.wait_indirect_dma semaphore(%dma_wait3A_128 : memref<!tpu.dma_semaphore, #tpu.memory_space<semaphore_mem>>) src(%dma_wait3A_120 : memref<128x128xf32, #tpu.memory_space<vmem>>) dst(%dma_wait3A_126 : memref<10240x128xf32, #tpu.memory_space<vmem_shared>>)
          %add3A_129 = arith.constant 2 : i32
          %add3A_130 = arith.addi %mul3A_52, %add3A_129 : i32
          %add3A_131 = arith.constant 0 : i32
          %add3A_132 = arith.addi %add3A_130, %add3A_131 : i32
          %lt3A = arith.constant 40 : i32
          %lt3A_133 = arith.cmpi slt, %add3A_132, %lt3A : i32
          %convert_element_type3A_134 = arith.extui %lt3A_133 : i1 to i32
          %cond3A_135 = arith.constant 0 : i32
          %cond3A_136 = arith.cmpi ne, %convert_element_type3A_134, %cond3A_135 : i32
          scf.if %cond3A_136 {
            %add3A_161 = arith.constant 2 : i32
            %add3A_162 = arith.addi %mul3A_52, %add3A_161 : i32
            %add3A_163 = arith.constant 0 : i32
            %add3A_164 = arith.addi %add3A_162, %add3A_163 : i32
            %dma_start3A_165 = arith.constant 0 : i32
            %dma_start3A_166 = arith.constant 0 : i32
            %dma_start3A_167 = arith.constant 0 : i32
            %dma_start3A_168 = arith.constant 0 : i32
            %dma_start3A_169 = tpu.memref_slice %arg9[%dma_start3A_165, %dma_start3A_167, %dma_start3A_168] : memref<2x128x128xf32, #tpu.memory_space<vmem>> -> memref<1x128x128xf32, #tpu.memory_space<vmem>>
            %dma_start3A_170 = tpu.memref_squeeze %dma_start3A_169 : memref<1x128x128xf32, #tpu.memory_space<vmem>> -> memref<128x128xf32, #tpu.memory_space<vmem>>
            %dma_start3A_171 = arith.constant 0 : i32
            %dma_start3A_172 = tpu.memref_slice %arg7[%add3A_164, %dma_start3A_171] : memref<40x128xi32, #tpu.memory_space<vmem>> -> memref<1x128xi32, #tpu.memory_space<vmem>>
            %dma_start3A_173 = tpu.memref_squeeze %dma_start3A_172 : memref<1x128xi32, #tpu.memory_space<vmem>> -> memref<128xi32, #tpu.memory_space<vmem>>
            %dma_start3A_174 = arith.constant 0 : i32
            %dma_start3A_175 = arith.constant 0 : i32
            %dma_start3A_176 = tpu.memref_slice %arg2[%dma_start3A_174, %dma_start3A_175] : memref<10240x128xf32, #tpu.memory_space<hbm>> -> memref<10240x128xf32, #tpu.memory_space<hbm>>
            %dma_start3A_177 = tpu.memref_slice %arg11[%dma_start3A_166] : memref<2x!tpu.dma_semaphore, #tpu.memory_space<semaphore_mem>> -> memref<1x!tpu.dma_semaphore, #tpu.memory_space<semaphore_mem>>
            %dma_start3A_178 = tpu.memref_squeeze %dma_start3A_177 : memref<1x!tpu.dma_semaphore, #tpu.memory_space<semaphore_mem>> -> memref<!tpu.dma_semaphore, #tpu.memory_space<semaphore_mem>>
            tpu.enqueue_indirect_dma source(%dma_start3A_176 : memref<10240x128xf32, #tpu.memory_space<hbm>>) target(%dma_start3A_170 : memref<128x128xf32, #tpu.memory_space<vmem>>) offsets(%dma_start3A_173 : memref<128xi32, #tpu.memory_space<vmem>>) semaphore(%dma_start3A_178 : memref<!tpu.dma_semaphore, #tpu.memory_space<semaphore_mem>>)
          } else {
          }
          %dma_wait3A_137 = arith.constant 1 : i32
          %dma_wait3A_138 = arith.constant 0 : i32
          %dma_wait3A_139 = arith.constant 1 : i32
          %dma_wait3A_140 = arith.constant 0 : i32
          %dma_wait3A_141 = arith.constant 0 : i32
          %dma_wait3A_142 = tpu.memref_slice %arg9[%dma_wait3A_137, %dma_wait3A_140, %dma_wait3A_141] : memref<2x128x128xf32, #tpu.memory_space<vmem>> -> memref<1x128x128xf32, #tpu.memory_space<vmem>>
          %dma_wait3A_143 = tpu.memref_squeeze %dma_wait3A_142 : memref<1x128x128xf32, #tpu.memory_space<vmem>> -> memref<128x128xf32, #tpu.memory_space<vmem>>
          %dma_wait3A_144 = arith.constant 0 : i32
          %dma_wait3A_145 = tpu.memref_slice %arg8[%dma_wait3A_138, %dma_wait3A_144] : memref<40x128xi32, #tpu.memory_space<vmem>> -> memref<1x128xi32, #tpu.memory_space<vmem>>
          %dma_wait3A_146 = tpu.memref_squeeze %dma_wait3A_145 : memref<1x128xi32, #tpu.memory_space<vmem>> -> memref<128xi32, #tpu.memory_space<vmem>>
          %dma_wait3A_147 = arith.constant 0 : i32
          %dma_wait3A_148 = arith.constant 0 : i32
          %dma_wait3A_149 = tpu.memref_slice %arg10[%dma_wait3A_147, %dma_wait3A_148] : memref<10240x128xf32, #tpu.memory_space<vmem_shared>> -> memref<10240x128xf32, #tpu.memory_space<vmem_shared>>
          %dma_wait3A_150 = tpu.memref_slice %arg12[%dma_wait3A_139] : memref<2x!tpu.dma_semaphore, #tpu.memory_space<semaphore_mem>> -> memref<1x!tpu.dma_semaphore, #tpu.memory_space<semaphore_mem>>
          %dma_wait3A_151 = tpu.memref_squeeze %dma_wait3A_150 : memref<1x!tpu.dma_semaphore, #tpu.memory_space<semaphore_mem>> -> memref<!tpu.dma_semaphore, #tpu.memory_space<semaphore_mem>>
          tpu.wait_indirect_dma semaphore(%dma_wait3A_151 : memref<!tpu.dma_semaphore, #tpu.memory_space<semaphore_mem>>) src(%dma_wait3A_143 : memref<128x128xf32, #tpu.memory_space<vmem>>) dst(%dma_wait3A_149 : memref<10240x128xf32, #tpu.memory_space<vmem_shared>>)
          %add3A_152 = arith.constant 2 : i32
          %add3A_153 = arith.addi %mul3A_52, %add3A_152 : i32
          %add3A_154 = arith.constant 1 : i32
          %add3A_155 = arith.addi %add3A_153, %add3A_154 : i32
          %lt3A_156 = arith.constant 40 : i32
          %lt3A_157 = arith.cmpi slt, %add3A_155, %lt3A_156 : i32
          %convert_element_type3A_158 = arith.extui %lt3A_157 : i1 to i32
          %cond3A_159 = arith.constant 0 : i32
          %cond3A_160 = arith.cmpi ne, %convert_element_type3A_158, %cond3A_159 : i32
          scf.if %cond3A_160 {
            %add3A_161 = arith.constant 2 : i32
            %add3A_162 = arith.addi %mul3A_52, %add3A_161 : i32
            %add3A_163 = arith.constant 1 : i32
            %add3A_164 = arith.addi %add3A_162, %add3A_163 : i32
            %dma_start3A_165 = arith.constant 1 : i32
            %dma_start3A_166 = arith.constant 1 : i32
            %dma_start3A_167 = arith.constant 0 : i32
            %dma_start3A_168 = arith.constant 0 : i32
            %dma_start3A_169 = tpu.memref_slice %arg9[%dma_start3A_165, %dma_start3A_167, %dma_start3A_168] : memref<2x128x128xf32, #tpu.memory_space<vmem>> -> memref<1x128x128xf32, #tpu.memory_space<vmem>>
            %dma_start3A_170 = tpu.memref_squeeze %dma_start3A_169 : memref<1x128x128xf32, #tpu.memory_space<vmem>> -> memref<128x128xf32, #tpu.memory_space<vmem>>
            %dma_start3A_171 = arith.constant 0 : i32
            %dma_start3A_172 = tpu.memref_slice %arg7[%add3A_164, %dma_start3A_171] : memref<40x128xi32, #tpu.memory_space<vmem>> -> memref<1x128xi32, #tpu.memory_space<vmem>>
            %dma_start3A_173 = tpu.memref_squeeze %dma_start3A_172 : memref<1x128xi32, #tpu.memory_space<vmem>> -> memref<128xi32, #tpu.memory_space<vmem>>
            %dma_start3A_174 = arith.constant 0 : i32
            %dma_start3A_175 = arith.constant 0 : i32
            %dma_start3A_176 = tpu.memref_slice %arg2[%dma_start3A_174, %dma_start3A_175] : memref<10240x128xf32, #tpu.memory_space<hbm>> -> memref<10240x128xf32, #tpu.memory_space<hbm>>
            %dma_start3A_177 = tpu.memref_slice %arg11[%dma_start3A_166] : memref<2x!tpu.dma_semaphore, #tpu.memory_space<semaphore_mem>> -> memref<1x!tpu.dma_semaphore, #tpu.memory_space<semaphore_mem>>
            %dma_start3A_178 = tpu.memref_squeeze %dma_start3A_177 : memref<1x!tpu.dma_semaphore, #tpu.memory_space<semaphore_mem>> -> memref<!tpu.dma_semaphore, #tpu.memory_space<semaphore_mem>>
            tpu.enqueue_indirect_dma source(%dma_start3A_176 : memref<10240x128xf32, #tpu.memory_space<hbm>>) target(%dma_start3A_170 : memref<128x128xf32, #tpu.memory_space<vmem>>) offsets(%dma_start3A_173 : memref<128xi32, #tpu.memory_space<vmem>>) semaphore(%dma_start3A_178 : memref<!tpu.dma_semaphore, #tpu.memory_space<semaphore_mem>>)
          } else {
          }
        }
        %scan3A_49 = arith.constant 20 : i32
      }
      %scan3A_10 = arith.constant 4 : i32
    } else {
    }
    %barrier3A_3 = arith.constant 0 : index
    tpu.barrier barrier_id(%barrier3A_3)
    "tpu.region"() ({
      %run_scoped3A = tpu.sem_alloc : memref<!tpu.dma_semaphore, #tpu.memory_space<semaphore_mem>>
      %dma_start3A = arith.constant 0 : i32
      %dma_start3A_4 = arith.constant 0 : i32
      %dma_start3A_5 = tpu.memref_slice %arg6[%arg0, %dma_start3A, %dma_start3A_4] : memref<2x10240x128xf32, #tpu.memory_space<hbm>> -> memref<1x10240x128xf32, #tpu.memory_space<hbm>>
      %dma_start3A_6 = tpu.memref_squeeze %dma_start3A_5 : memref<1x10240x128xf32, #tpu.memory_space<hbm>> -> memref<10240x128xf32, #tpu.memory_space<hbm>>
      %dma_start3A_7 = arith.constant 0 : i32
      %dma_start3A_8 = tpu.memref_slice %dma_start3A_6[%multiple_of3A, %dma_start3A_7] : memref<10240x128xf32, #tpu.memory_space<hbm>> -> memref<640x128xf32, #tpu.memory_space<hbm>>
      %dma_start3A_9 = arith.constant 0 : i32
      %dma_start3A_10 = tpu.memref_slice %arg10[%multiple_of3A, %dma_start3A_9] : memref<10240x128xf32, #tpu.memory_space<vmem_shared>> -> memref<640x128xf32, #tpu.memory_space<vmem_shared>>
      tpu.enqueue_dma source(%dma_start3A_10 : memref<640x128xf32, #tpu.memory_space<vmem_shared>>) target(%dma_start3A_8 : memref<640x128xf32, #tpu.memory_space<hbm>>) target_semaphore(%run_scoped3A : memref<!tpu.dma_semaphore, #tpu.memory_space<semaphore_mem>>)
      %dma_wait3A = arith.constant 0 : i32
      %dma_wait3A_11 = arith.constant 0 : i32
      %dma_wait3A_12 = tpu.memref_slice %arg6[%arg0, %dma_wait3A, %dma_wait3A_11] : memref<2x10240x128xf32, #tpu.memory_space<hbm>> -> memref<1x10240x128xf32, #tpu.memory_space<hbm>>
      %dma_wait3A_13 = tpu.memref_squeeze %dma_wait3A_12 : memref<1x10240x128xf32, #tpu.memory_space<hbm>> -> memref<10240x128xf32, #tpu.memory_space<hbm>>
      %dma_wait3A_14 = arith.constant 0 : i32
      %dma_wait3A_15 = tpu.memref_slice %dma_wait3A_13[%multiple_of3A, %dma_wait3A_14] : memref<10240x128xf32, #tpu.memory_space<hbm>> -> memref<640x128xf32, #tpu.memory_space<hbm>>
      %dma_wait3A_16 = arith.constant 0 : i32
      %dma_wait3A_17 = tpu.memref_slice %arg10[%multiple_of3A, %dma_wait3A_16] : memref<10240x128xf32, #tpu.memory_space<vmem_shared>> -> memref<640x128xf32, #tpu.memory_space<vmem_shared>>
      tpu.wait_dma2 semaphore(%run_scoped3A : memref<!tpu.dma_semaphore, #tpu.memory_space<semaphore_mem>>) src(%dma_wait3A_17 : memref<640x128xf32, #tpu.memory_space<vmem_shared>>) dst(%dma_wait3A_15 : memref<640x128xf32, #tpu.memory_space<hbm>>)
      tpu.yield
    }) : () -> ()
    return
  }
}

#map = affine_map<(d0, d1) -> (0, 0)>
#map1 = affine_map<(d0, d1) -> (0, 0, 0)>
module attributes {stable_mosaic.version = 14 : i64} {
  func.func @agg_k(%arg0: i32, %arg1: i32, %arg2: memref<10240x128xf32, #tpu.memory_space<hbm>>, %arg3: memref<2560x128xi32, #tpu.memory_space<hbm>>, %arg4: memref<2560x128xi32, #tpu.memory_space<hbm>>, %arg5: memref<640x128xf32, #tpu.memory_space<hbm>>, %arg6: memref<2x10240x128xf32, #tpu.memory_space<hbm>>, %arg7: memref<40x128xi32, #tpu.memory_space<vmem>>, %arg8: memref<40x128xi32, #tpu.memory_space<vmem>>, %arg9: memref<2x128x128xf32, #tpu.memory_space<vmem>>, %arg10: memref<10240x128xf32, #tpu.memory_space<vmem_shared>>, %arg11: memref<2x!tpu.dma_semaphore, #tpu.memory_space<semaphore_mem>>, %arg12: memref<2x!tpu.dma_semaphore, #tpu.memory_space<semaphore_mem>>) attributes {dimension_semantics = [#tpu.dimension_semantics<core_parallel>, #tpu.dimension_semantics<subcore_parallel>], iteration_bounds = array<i64: 2, 16>, scalar_prefetch = 0 : i64, scratch_operands = 6 : i64, tpu.core_type = #tpu.core_type<sc_vector_subcore>, window_params = [{transform_indices = #map}, {transform_indices = #map}, {transform_indices = #map}, {transform_indices = #map}, {transform_indices = #map1}]} {
    %mul3A = arith.constant 640 : i32
    %mul3A_0 = arith.muli %arg1, %mul3A : i32
    %multiple_of3A = tpu.assume_multiple %mul3A_0, 8 : i32
    "tpu.region"() ({
      %run_scoped3A = tpu.sem_alloc : memref<!tpu.dma_semaphore, #tpu.memory_space<semaphore_mem>>
      %dma_start3A = arith.constant 0 : i32
      %dma_start3A_4 = tpu.memref_slice %arg10[%multiple_of3A, %dma_start3A] : memref<10240x128xf32, #tpu.memory_space<vmem_shared>> -> memref<640x128xf32, #tpu.memory_space<vmem_shared>>
      tpu.enqueue_dma source(%arg5 : memref<640x128xf32, #tpu.memory_space<hbm>>) target(%dma_start3A_4 : memref<640x128xf32, #tpu.memory_space<vmem_shared>>) target_semaphore(%run_scoped3A : memref<!tpu.dma_semaphore, #tpu.memory_space<semaphore_mem>>)
      %dma_wait3A = arith.constant 0 : i32
      %dma_wait3A_5 = tpu.memref_slice %arg10[%multiple_of3A, %dma_wait3A] : memref<10240x128xf32, #tpu.memory_space<vmem_shared>> -> memref<640x128xf32, #tpu.memory_space<vmem_shared>>
      tpu.wait_dma2 semaphore(%run_scoped3A : memref<!tpu.dma_semaphore, #tpu.memory_space<semaphore_mem>>) src(%arg5 : memref<640x128xf32, #tpu.memory_space<hbm>>) dst(%dma_wait3A_5 : memref<640x128xf32, #tpu.memory_space<vmem_shared>>)
      tpu.yield
    }) : () -> ()
    %barrier3A = arith.constant 0 : index
    tpu.barrier barrier_id(%barrier3A)
    %eq3A = arith.constant 0 : i32
    %eq3A_1 = arith.cmpi eq, %arg0, %eq3A : i32
    %convert_element_type3A = arith.extui %eq3A_1 : i1 to i32
    %cond3A = arith.constant 0 : i32
    %cond3A_2 = arith.cmpi ne, %convert_element_type3A, %cond3A : i32
    scf.if %cond3A_2 {
      %mul3A_4 = arith.constant 160 : i32
      %mul3A_5 = arith.muli %arg1, %mul3A_4 : i32
      %scan3A = arith.constant 0 : i32
      %scan3A_6 = arith.constant 0 : i32
      %scan3A_7 = arith.constant 4 : i32
      %scan3A_8 = arith.addi %scan3A_6, %scan3A_7 : i32
      %scan3A_9 = arith.constant 1 : i32
      scf.for %scan3A_11 = %scan3A_6 to %scan3A_8 step %scan3A_9  : i32 {
        %mul3A_12 = arith.constant 40 : i32
        %mul3A_13 = arith.muli %scan3A_11, %mul3A_12 : i32
        %add3A = arith.addi %mul3A_5, %mul3A_13 : i32
        %multiple_of3A_14 = tpu.assume_multiple %add3A, 8 : i32
        "tpu.region"() ({
          %run_scoped3A = tpu.sem_alloc : memref<!tpu.dma_semaphore, #tpu.memory_space<semaphore_mem>>
          %dma_start3A_50 = arith.constant 0 : i32
          %dma_start3A_51 = arith.constant 0 : i32
          %dma_start3A_52 = tpu.memref_slice %arg7[%dma_start3A_50, %dma_start3A_51] : memref<40x128xi32, #tpu.memory_space<vmem>> -> memref<40x128xi32, #tpu.memory_space<vmem>>
          %dma_start3A_53 = arith.constant 0 : i32
          %dma_start3A_54 = tpu.memref_slice %arg3[%multiple_of3A_14, %dma_start3A_53] : memref<2560x128xi32, #tpu.memory_space<hbm>> -> memref<40x128xi32, #tpu.memory_space<hbm>>
          %dma_start3A_55 = arith.constant 0 : i32
          %dma_start3A_56 = arith.constant 0 : i32
          %dma_start3A_57 = tpu.memref_slice %arg7[%dma_start3A_55, %dma_start3A_56] : memref<40x128xi32, #tpu.memory_space<vmem>> -> memref<40x128xi32, #tpu.memory_space<vmem>>
          %dma_start3A_58 = arith.constant 0 : i32
          %dma_start3A_59 = tpu.memref_slice %arg3[%multiple_of3A_14, %dma_start3A_58] : memref<2560x128xi32, #tpu.memory_space<hbm>> -> memref<40x128xi32, #tpu.memory_space<hbm>>
          tpu.enqueue_dma source(%dma_start3A_59 : memref<40x128xi32, #tpu.memory_space<hbm>>) target(%dma_start3A_57 : memref<40x128xi32, #tpu.memory_space<vmem>>) target_semaphore(%run_scoped3A : memref<!tpu.dma_semaphore, #tpu.memory_space<semaphore_mem>>)
          %dma_wait3A = arith.constant 0 : i32
          %dma_wait3A_60 = arith.constant 0 : i32
          %dma_wait3A_61 = tpu.memref_slice %arg7[%dma_wait3A, %dma_wait3A_60] : memref<40x128xi32, #tpu.memory_space<vmem>> -> memref<40x128xi32, #tpu.memory_space<vmem>>
          %dma_wait3A_62 = arith.constant 0 : i32
          %dma_wait3A_63 = tpu.memref_slice %arg3[%multiple_of3A_14, %dma_wait3A_62] : memref<2560x128xi32, #tpu.memory_space<hbm>> -> memref<40x128xi32, #tpu.memory_space<hbm>>
          %dma_wait3A_64 = arith.constant 0 : i32
          %dma_wait3A_65 = arith.constant 0 : i32
          %dma_wait3A_66 = tpu.memref_slice %arg7[%dma_wait3A_64, %dma_wait3A_65] : memref<40x128xi32, #tpu.memory_space<vmem>> -> memref<40x128xi32, #tpu.memory_space<vmem>>
          %dma_wait3A_67 = arith.constant 0 : i32
          %dma_wait3A_68 = tpu.memref_slice %arg3[%multiple_of3A_14, %dma_wait3A_67] : memref<2560x128xi32, #tpu.memory_space<hbm>> -> memref<40x128xi32, #tpu.memory_space<hbm>>
          tpu.wait_dma2 semaphore(%run_scoped3A : memref<!tpu.dma_semaphore, #tpu.memory_space<semaphore_mem>>) src(%dma_wait3A_68 : memref<40x128xi32, #tpu.memory_space<hbm>>) dst(%dma_wait3A_66 : memref<40x128xi32, #tpu.memory_space<vmem>>)
          tpu.yield
        }) : () -> ()
        "tpu.region"() ({
          %run_scoped3A = tpu.sem_alloc : memref<!tpu.dma_semaphore, #tpu.memory_space<semaphore_mem>>
          %dma_start3A_50 = arith.constant 0 : i32
          %dma_start3A_51 = arith.constant 0 : i32
          %dma_start3A_52 = tpu.memref_slice %arg8[%dma_start3A_50, %dma_start3A_51] : memref<40x128xi32, #tpu.memory_space<vmem>> -> memref<40x128xi32, #tpu.memory_space<vmem>>
          %dma_start3A_53 = arith.constant 0 : i32
          %dma_start3A_54 = tpu.memref_slice %arg4[%multiple_of3A_14, %dma_start3A_53] : memref<2560x128xi32, #tpu.memory_space<hbm>> -> memref<40x128xi32, #tpu.memory_space<hbm>>
          %dma_start3A_55 = arith.constant 0 : i32
          %dma_start3A_56 = arith.constant 0 : i32
          %dma_start3A_57 = tpu.memref_slice %arg8[%dma_start3A_55, %dma_start3A_56] : memref<40x128xi32, #tpu.memory_space<vmem>> -> memref<40x128xi32, #tpu.memory_space<vmem>>
          %dma_start3A_58 = arith.constant 0 : i32
          %dma_start3A_59 = tpu.memref_slice %arg4[%multiple_of3A_14, %dma_start3A_58] : memref<2560x128xi32, #tpu.memory_space<hbm>> -> memref<40x128xi32, #tpu.memory_space<hbm>>
          tpu.enqueue_dma source(%dma_start3A_59 : memref<40x128xi32, #tpu.memory_space<hbm>>) target(%dma_start3A_57 : memref<40x128xi32, #tpu.memory_space<vmem>>) target_semaphore(%run_scoped3A : memref<!tpu.dma_semaphore, #tpu.memory_space<semaphore_mem>>)
          %dma_wait3A = arith.constant 0 : i32
          %dma_wait3A_60 = arith.constant 0 : i32
          %dma_wait3A_61 = tpu.memref_slice %arg8[%dma_wait3A, %dma_wait3A_60] : memref<40x128xi32, #tpu.memory_space<vmem>> -> memref<40x128xi32, #tpu.memory_space<vmem>>
          %dma_wait3A_62 = arith.constant 0 : i32
          %dma_wait3A_63 = tpu.memref_slice %arg4[%multiple_of3A_14, %dma_wait3A_62] : memref<2560x128xi32, #tpu.memory_space<hbm>> -> memref<40x128xi32, #tpu.memory_space<hbm>>
          %dma_wait3A_64 = arith.constant 0 : i32
          %dma_wait3A_65 = arith.constant 0 : i32
          %dma_wait3A_66 = tpu.memref_slice %arg8[%dma_wait3A_64, %dma_wait3A_65] : memref<40x128xi32, #tpu.memory_space<vmem>> -> memref<40x128xi32, #tpu.memory_space<vmem>>
          %dma_wait3A_67 = arith.constant 0 : i32
          %dma_wait3A_68 = tpu.memref_slice %arg4[%multiple_of3A_14, %dma_wait3A_67] : memref<2560x128xi32, #tpu.memory_space<hbm>> -> memref<40x128xi32, #tpu.memory_space<hbm>>
          tpu.wait_dma2 semaphore(%run_scoped3A : memref<!tpu.dma_semaphore, #tpu.memory_space<semaphore_mem>>) src(%dma_wait3A_68 : memref<40x128xi32, #tpu.memory_space<hbm>>) dst(%dma_wait3A_66 : memref<40x128xi32, #tpu.memory_space<vmem>>)
          tpu.yield
        }) : () -> ()
        %dma_start3A = arith.constant 0 : i32
        %dma_start3A_15 = arith.constant 0 : i32
        %dma_start3A_16 = arith.constant 0 : i32
        %dma_start3A_17 = arith.constant 0 : i32
        %dma_start3A_18 = arith.constant 0 : i32
        %dma_start3A_19 = tpu.memref_slice %arg9[%dma_start3A_15, %dma_start3A_17, %dma_start3A_18] : memref<2x128x128xf32, #tpu.memory_space<vmem>> -> memref<1x128x128xf32, #tpu.memory_space<vmem>>
        %dma_start3A_20 = tpu.memref_squeeze %dma_start3A_19 : memref<1x128x128xf32, #tpu.memory_space<vmem>> -> memref<128x128xf32, #tpu.memory_space<vmem>>
        %dma_start3A_21 = arith.constant 0 : i32
        %dma_start3A_22 = tpu.memref_slice %arg7[%dma_start3A, %dma_start3A_21] : memref<40x128xi32, #tpu.memory_space<vmem>> -> memref<1x128xi32, #tpu.memory_space<vmem>>
        %dma_start3A_23 = tpu.memref_squeeze %dma_start3A_22 : memref<1x128xi32, #tpu.memory_space<vmem>> -> memref<128xi32, #tpu.memory_space<vmem>>
        %dma_start3A_24 = arith.constant 0 : i32
        %dma_start3A_25 = arith.constant 0 : i32
        %dma_start3A_26 = tpu.memref_slice %arg2[%dma_start3A_24, %dma_start3A_25] : memref<10240x128xf32, #tpu.memory_space<hbm>> -> memref<10240x128xf32, #tpu.memory_space<hbm>>
        %dma_start3A_27 = tpu.memref_slice %arg11[%dma_start3A_16] : memref<2x!tpu.dma_semaphore, #tpu.memory_space<semaphore_mem>> -> memref<1x!tpu.dma_semaphore, #tpu.memory_space<semaphore_mem>>
        %dma_start3A_28 = tpu.memref_squeeze %dma_start3A_27 : memref<1x!tpu.dma_semaphore, #tpu.memory_space<semaphore_mem>> -> memref<!tpu.dma_semaphore, #tpu.memory_space<semaphore_mem>>
        tpu.enqueue_indirect_dma source(%dma_start3A_26 : memref<10240x128xf32, #tpu.memory_space<hbm>>) target(%dma_start3A_20 : memref<128x128xf32, #tpu.memory_space<vmem>>) offsets(%dma_start3A_23 : memref<128xi32, #tpu.memory_space<vmem>>) semaphore(%dma_start3A_28 : memref<!tpu.dma_semaphore, #tpu.memory_space<semaphore_mem>>)
        %dma_start3A_29 = arith.constant 1 : i32
        %dma_start3A_30 = arith.constant 1 : i32
        %dma_start3A_31 = arith.constant 1 : i32
        %dma_start3A_32 = arith.constant 0 : i32
        %dma_start3A_33 = arith.constant 0 : i32
        %dma_start3A_34 = tpu.memref_slice %arg9[%dma_start3A_30, %dma_start3A_32, %dma_start3A_33] : memref<2x128x128xf32, #tpu.memory_space<vmem>> -> memref<1x128x128xf32, #tpu.memory_space<vmem>>
        %dma_start3A_35 = tpu.memref_squeeze %dma_start3A_34 : memref<1x128x128xf32, #tpu.memory_space<vmem>> -> memref<128x128xf32, #tpu.memory_space<vmem>>
        %dma_start3A_36 = arith.constant 0 : i32
        %dma_start3A_37 = tpu.memref_slice %arg7[%dma_start3A_29, %dma_start3A_36] : memref<40x128xi32, #tpu.memory_space<vmem>> -> memref<1x128xi32, #tpu.memory_space<vmem>>
        %dma_start3A_38 = tpu.memref_squeeze %dma_start3A_37 : memref<1x128xi32, #tpu.memory_space<vmem>> -> memref<128xi32, #tpu.memory_space<vmem>>
        %dma_start3A_39 = arith.constant 0 : i32
        %dma_start3A_40 = arith.constant 0 : i32
        %dma_start3A_41 = tpu.memref_slice %arg2[%dma_start3A_39, %dma_start3A_40] : memref<10240x128xf32, #tpu.memory_space<hbm>> -> memref<10240x128xf32, #tpu.memory_space<hbm>>
        %dma_start3A_42 = tpu.memref_slice %arg11[%dma_start3A_31] : memref<2x!tpu.dma_semaphore, #tpu.memory_space<semaphore_mem>> -> memref<1x!tpu.dma_semaphore, #tpu.memory_space<semaphore_mem>>
        %dma_start3A_43 = tpu.memref_squeeze %dma_start3A_42 : memref<1x!tpu.dma_semaphore, #tpu.memory_space<semaphore_mem>> -> memref<!tpu.dma_semaphore, #tpu.memory_space<semaphore_mem>>
        tpu.enqueue_indirect_dma source(%dma_start3A_41 : memref<10240x128xf32, #tpu.memory_space<hbm>>) target(%dma_start3A_35 : memref<128x128xf32, #tpu.memory_space<vmem>>) offsets(%dma_start3A_38 : memref<128xi32, #tpu.memory_space<vmem>>) semaphore(%dma_start3A_43 : memref<!tpu.dma_semaphore, #tpu.memory_space<semaphore_mem>>)
        %scan3A_44 = arith.constant 0 : i32
        %scan3A_45 = arith.constant 0 : i32
        %scan3A_46 = arith.constant 20 : i32
        %scan3A_47 = arith.addi %scan3A_45, %scan3A_46 : i32
        %scan3A_48 = arith.constant 1 : i32
        scf.for %scan3A_50 = %scan3A_45 to %scan3A_47 step %scan3A_48  : i32 {
          %mul3A_51 = arith.constant 2 : i32
          %mul3A_52 = arith.muli %mul3A_51, %scan3A_50 : i32
          %dma_wait3A = arith.constant 0 : i32
          %dma_wait3A_53 = arith.constant 0 : i32
          %dma_wait3A_54 = arith.constant 0 : i32
          %dma_wait3A_55 = arith.constant 0 : i32
          %dma_wait3A_56 = arith.constant 0 : i32
          %dma_wait3A_57 = tpu.memref_slice %arg9[%dma_wait3A_53, %dma_wait3A_55, %dma_wait3A_56] : memref<2x128x128xf32, #tpu.memory_space<vmem>> -> memref<1x128x128xf32, #tpu.memory_space<vmem>>
          %dma_wait3A_58 = tpu.memref_squeeze %dma_wait3A_57 : memref<1x128x128xf32, #tpu.memory_space<vmem>> -> memref<128x128xf32, #tpu.memory_space<vmem>>
          %dma_wait3A_59 = arith.constant 0 : i32
          %dma_wait3A_60 = tpu.memref_slice %arg7[%dma_wait3A, %dma_wait3A_59] : memref<40x128xi32, #tpu.memory_space<vmem>> -> memref<1x128xi32, #tpu.memory_space<vmem>>
          %dma_wait3A_61 = tpu.memref_squeeze %dma_wait3A_60 : memref<1x128xi32, #tpu.memory_space<vmem>> -> memref<128xi32, #tpu.memory_space<vmem>>
          %dma_wait3A_62 = arith.constant 0 : i32
          %dma_wait3A_63 = arith.constant 0 : i32
          %dma_wait3A_64 = tpu.memref_slice %arg2[%dma_wait3A_62, %dma_wait3A_63] : memref<10240x128xf32, #tpu.memory_space<hbm>> -> memref<10240x128xf32, #tpu.memory_space<hbm>>
          %dma_wait3A_65 = tpu.memref_slice %arg11[%dma_wait3A_54] : memref<2x!tpu.dma_semaphore, #tpu.memory_space<semaphore_mem>> -> memref<1x!tpu.dma_semaphore, #tpu.memory_space<semaphore_mem>>
          %dma_wait3A_66 = tpu.memref_squeeze %dma_wait3A_65 : memref<1x!tpu.dma_semaphore, #tpu.memory_space<semaphore_mem>> -> memref<!tpu.dma_semaphore, #tpu.memory_space<semaphore_mem>>
          tpu.wait_indirect_dma semaphore(%dma_wait3A_66 : memref<!tpu.dma_semaphore, #tpu.memory_space<semaphore_mem>>) src(%dma_wait3A_64 : memref<10240x128xf32, #tpu.memory_space<hbm>>) dst(%dma_wait3A_58 : memref<128x128xf32, #tpu.memory_space<vmem>>)
          %add3A_67 = arith.constant 0 : i32
          %add3A_68 = arith.addi %mul3A_52, %add3A_67 : i32
          %dma_start3A_69 = arith.constant 0 : i32
          %dma_start3A_70 = arith.constant 0 : i32
          %dma_start3A_71 = arith.constant 0 : i32
          %dma_start3A_72 = arith.constant 0 : i32
          %dma_start3A_73 = tpu.memref_slice %arg9[%dma_start3A_69, %dma_start3A_71, %dma_start3A_72] : memref<2x128x128xf32, #tpu.memory_space<vmem>> -> memref<1x128x128xf32, #tpu.memory_space<vmem>>
          %dma_start3A_74 = tpu.memref_squeeze %dma_start3A_73 : memref<1x128x128xf32, #tpu.memory_space<vmem>> -> memref<128x128xf32, #tpu.memory_space<vmem>>
          %dma_start3A_75 = arith.constant 0 : i32
          %dma_start3A_76 = tpu.memref_slice %arg8[%add3A_68, %dma_start3A_75] : memref<40x128xi32, #tpu.memory_space<vmem>> -> memref<1x128xi32, #tpu.memory_space<vmem>>
          %dma_start3A_77 = tpu.memref_squeeze %dma_start3A_76 : memref<1x128xi32, #tpu.memory_space<vmem>> -> memref<128xi32, #tpu.memory_space<vmem>>
          %dma_start3A_78 = arith.constant 0 : i32
          %dma_start3A_79 = arith.constant 0 : i32
          %dma_start3A_80 = tpu.memref_slice %arg10[%dma_start3A_78, %dma_start3A_79] : memref<10240x128xf32, #tpu.memory_space<vmem_shared>> -> memref<10240x128xf32, #tpu.memory_space<vmem_shared>>
          %dma_start3A_81 = tpu.memref_slice %arg12[%dma_start3A_70] : memref<2x!tpu.dma_semaphore, #tpu.memory_space<semaphore_mem>> -> memref<1x!tpu.dma_semaphore, #tpu.memory_space<semaphore_mem>>
          %dma_start3A_82 = tpu.memref_squeeze %dma_start3A_81 : memref<1x!tpu.dma_semaphore, #tpu.memory_space<semaphore_mem>> -> memref<!tpu.dma_semaphore, #tpu.memory_space<semaphore_mem>>
          tpu.enqueue_indirect_dma source(%dma_start3A_74 : memref<128x128xf32, #tpu.memory_space<vmem>>) target(%dma_start3A_80 : memref<10240x128xf32, #tpu.memory_space<vmem_shared>>) offsets(%dma_start3A_77 : memref<128xi32, #tpu.memory_space<vmem>>) semaphore(%dma_start3A_82 : memref<!tpu.dma_semaphore, #tpu.memory_space<semaphore_mem>>) {add = true}
          %dma_wait3A_83 = arith.constant 0 : i32
          %dma_wait3A_84 = arith.constant 1 : i32
          %dma_wait3A_85 = arith.constant 1 : i32
          %dma_wait3A_86 = arith.constant 0 : i32
          %dma_wait3A_87 = arith.constant 0 : i32
          %dma_wait3A_88 = tpu.memref_slice %arg9[%dma_wait3A_84, %dma_wait3A_86, %dma_wait3A_87] : memref<2x128x128xf32, #tpu.memory_space<vmem>> -> memref<1x128x128xf32, #tpu.memory_space<vmem>>
          %dma_wait3A_89 = tpu.memref_squeeze %dma_wait3A_88 : memref<1x128x128xf32, #tpu.memory_space<vmem>> -> memref<128x128xf32, #tpu.memory_space<vmem>>
          %dma_wait3A_90 = arith.constant 0 : i32
          %dma_wait3A_91 = tpu.memref_slice %arg7[%dma_wait3A_83, %dma_wait3A_90] : memref<40x128xi32, #tpu.memory_space<vmem>> -> memref<1x128xi32, #tpu.memory_space<vmem>>
          %dma_wait3A_92 = tpu.memref_squeeze %dma_wait3A_91 : memref<1x128xi32, #tpu.memory_space<vmem>> -> memref<128xi32, #tpu.memory_space<vmem>>
          %dma_wait3A_93 = arith.constant 0 : i32
          %dma_wait3A_94 = arith.constant 0 : i32
          %dma_wait3A_95 = tpu.memref_slice %arg2[%dma_wait3A_93, %dma_wait3A_94] : memref<10240x128xf32, #tpu.memory_space<hbm>> -> memref<10240x128xf32, #tpu.memory_space<hbm>>
          %dma_wait3A_96 = tpu.memref_slice %arg11[%dma_wait3A_85] : memref<2x!tpu.dma_semaphore, #tpu.memory_space<semaphore_mem>> -> memref<1x!tpu.dma_semaphore, #tpu.memory_space<semaphore_mem>>
          %dma_wait3A_97 = tpu.memref_squeeze %dma_wait3A_96 : memref<1x!tpu.dma_semaphore, #tpu.memory_space<semaphore_mem>> -> memref<!tpu.dma_semaphore, #tpu.memory_space<semaphore_mem>>
          tpu.wait_indirect_dma semaphore(%dma_wait3A_97 : memref<!tpu.dma_semaphore, #tpu.memory_space<semaphore_mem>>) src(%dma_wait3A_95 : memref<10240x128xf32, #tpu.memory_space<hbm>>) dst(%dma_wait3A_89 : memref<128x128xf32, #tpu.memory_space<vmem>>)
          %add3A_98 = arith.constant 1 : i32
          %add3A_99 = arith.addi %mul3A_52, %add3A_98 : i32
          %dma_start3A_100 = arith.constant 1 : i32
          %dma_start3A_101 = arith.constant 1 : i32
          %dma_start3A_102 = arith.constant 0 : i32
          %dma_start3A_103 = arith.constant 0 : i32
          %dma_start3A_104 = tpu.memref_slice %arg9[%dma_start3A_100, %dma_start3A_102, %dma_start3A_103] : memref<2x128x128xf32, #tpu.memory_space<vmem>> -> memref<1x128x128xf32, #tpu.memory_space<vmem>>
          %dma_start3A_105 = tpu.memref_squeeze %dma_start3A_104 : memref<1x128x128xf32, #tpu.memory_space<vmem>> -> memref<128x128xf32, #tpu.memory_space<vmem>>
          %dma_start3A_106 = arith.constant 0 : i32
          %dma_start3A_107 = tpu.memref_slice %arg8[%add3A_99, %dma_start3A_106] : memref<40x128xi32, #tpu.memory_space<vmem>> -> memref<1x128xi32, #tpu.memory_space<vmem>>
          %dma_start3A_108 = tpu.memref_squeeze %dma_start3A_107 : memref<1x128xi32, #tpu.memory_space<vmem>> -> memref<128xi32, #tpu.memory_space<vmem>>
          %dma_start3A_109 = arith.constant 0 : i32
          %dma_start3A_110 = arith.constant 0 : i32
          %dma_start3A_111 = tpu.memref_slice %arg10[%dma_start3A_109, %dma_start3A_110] : memref<10240x128xf32, #tpu.memory_space<vmem_shared>> -> memref<10240x128xf32, #tpu.memory_space<vmem_shared>>
          %dma_start3A_112 = tpu.memref_slice %arg12[%dma_start3A_101] : memref<2x!tpu.dma_semaphore, #tpu.memory_space<semaphore_mem>> -> memref<1x!tpu.dma_semaphore, #tpu.memory_space<semaphore_mem>>
          %dma_start3A_113 = tpu.memref_squeeze %dma_start3A_112 : memref<1x!tpu.dma_semaphore, #tpu.memory_space<semaphore_mem>> -> memref<!tpu.dma_semaphore, #tpu.memory_space<semaphore_mem>>
          tpu.enqueue_indirect_dma source(%dma_start3A_105 : memref<128x128xf32, #tpu.memory_space<vmem>>) target(%dma_start3A_111 : memref<10240x128xf32, #tpu.memory_space<vmem_shared>>) offsets(%dma_start3A_108 : memref<128xi32, #tpu.memory_space<vmem>>) semaphore(%dma_start3A_113 : memref<!tpu.dma_semaphore, #tpu.memory_space<semaphore_mem>>) {add = true}
          %dma_wait3A_114 = arith.constant 0 : i32
          %dma_wait3A_115 = arith.constant 0 : i32
          %dma_wait3A_116 = arith.constant 0 : i32
          %dma_wait3A_117 = arith.constant 0 : i32
          %dma_wait3A_118 = arith.constant 0 : i32
          %dma_wait3A_119 = tpu.memref_slice %arg9[%dma_wait3A_114, %dma_wait3A_117, %dma_wait3A_118] : memref<2x128x128xf32, #tpu.memory_space<vmem>> -> memref<1x128x128xf32, #tpu.memory_space<vmem>>
          %dma_wait3A_120 = tpu.memref_squeeze %dma_wait3A_119 : memref<1x128x128xf32, #tpu.memory_space<vmem>> -> memref<128x128xf32, #tpu.memory_space<vmem>>
          %dma_wait3A_121 = arith.constant 0 : i32
          %dma_wait3A_122 = tpu.memref_slice %arg8[%dma_wait3A_115, %dma_wait3A_121] : memref<40x128xi32, #tpu.memory_space<vmem>> -> memref<1x128xi32, #tpu.memory_space<vmem>>
          %dma_wait3A_123 = tpu.memref_squeeze %dma_wait3A_122 : memref<1x128xi32, #tpu.memory_space<vmem>> -> memref<128xi32, #tpu.memory_space<vmem>>
          %dma_wait3A_124 = arith.constant 0 : i32
          %dma_wait3A_125 = arith.constant 0 : i32
          %dma_wait3A_126 = tpu.memref_slice %arg10[%dma_wait3A_124, %dma_wait3A_125] : memref<10240x128xf32, #tpu.memory_space<vmem_shared>> -> memref<10240x128xf32, #tpu.memory_space<vmem_shared>>
          %dma_wait3A_127 = tpu.memref_slice %arg12[%dma_wait3A_116] : memref<2x!tpu.dma_semaphore, #tpu.memory_space<semaphore_mem>> -> memref<1x!tpu.dma_semaphore, #tpu.memory_space<semaphore_mem>>
          %dma_wait3A_128 = tpu.memref_squeeze %dma_wait3A_127 : memref<1x!tpu.dma_semaphore, #tpu.memory_space<semaphore_mem>> -> memref<!tpu.dma_semaphore, #tpu.memory_space<semaphore_mem>>
          tpu.wait_indirect_dma semaphore(%dma_wait3A_128 : memref<!tpu.dma_semaphore, #tpu.memory_space<semaphore_mem>>) src(%dma_wait3A_120 : memref<128x128xf32, #tpu.memory_space<vmem>>) dst(%dma_wait3A_126 : memref<10240x128xf32, #tpu.memory_space<vmem_shared>>)
          %add3A_129 = arith.constant 2 : i32
          %add3A_130 = arith.addi %mul3A_52, %add3A_129 : i32
          %add3A_131 = arith.constant 0 : i32
          %add3A_132 = arith.addi %add3A_130, %add3A_131 : i32
          %lt3A = arith.constant 40 : i32
          %lt3A_133 = arith.cmpi slt, %add3A_132, %lt3A : i32
          %convert_element_type3A_134 = arith.extui %lt3A_133 : i1 to i32
          %cond3A_135 = arith.constant 0 : i32
          %cond3A_136 = arith.cmpi ne, %convert_element_type3A_134, %cond3A_135 : i32
          scf.if %cond3A_136 {
            %add3A_161 = arith.constant 2 : i32
            %add3A_162 = arith.addi %mul3A_52, %add3A_161 : i32
            %add3A_163 = arith.constant 0 : i32
            %add3A_164 = arith.addi %add3A_162, %add3A_163 : i32
            %dma_start3A_165 = arith.constant 0 : i32
            %dma_start3A_166 = arith.constant 0 : i32
            %dma_start3A_167 = arith.constant 0 : i32
            %dma_start3A_168 = arith.constant 0 : i32
            %dma_start3A_169 = tpu.memref_slice %arg9[%dma_start3A_165, %dma_start3A_167, %dma_start3A_168] : memref<2x128x128xf32, #tpu.memory_space<vmem>> -> memref<1x128x128xf32, #tpu.memory_space<vmem>>
            %dma_start3A_170 = tpu.memref_squeeze %dma_start3A_169 : memref<1x128x128xf32, #tpu.memory_space<vmem>> -> memref<128x128xf32, #tpu.memory_space<vmem>>
            %dma_start3A_171 = arith.constant 0 : i32
            %dma_start3A_172 = tpu.memref_slice %arg7[%add3A_164, %dma_start3A_171] : memref<40x128xi32, #tpu.memory_space<vmem>> -> memref<1x128xi32, #tpu.memory_space<vmem>>
            %dma_start3A_173 = tpu.memref_squeeze %dma_start3A_172 : memref<1x128xi32, #tpu.memory_space<vmem>> -> memref<128xi32, #tpu.memory_space<vmem>>
            %dma_start3A_174 = arith.constant 0 : i32
            %dma_start3A_175 = arith.constant 0 : i32
            %dma_start3A_176 = tpu.memref_slice %arg2[%dma_start3A_174, %dma_start3A_175] : memref<10240x128xf32, #tpu.memory_space<hbm>> -> memref<10240x128xf32, #tpu.memory_space<hbm>>
            %dma_start3A_177 = tpu.memref_slice %arg11[%dma_start3A_166] : memref<2x!tpu.dma_semaphore, #tpu.memory_space<semaphore_mem>> -> memref<1x!tpu.dma_semaphore, #tpu.memory_space<semaphore_mem>>
            %dma_start3A_178 = tpu.memref_squeeze %dma_start3A_177 : memref<1x!tpu.dma_semaphore, #tpu.memory_space<semaphore_mem>> -> memref<!tpu.dma_semaphore, #tpu.memory_space<semaphore_mem>>
            tpu.enqueue_indirect_dma source(%dma_start3A_176 : memref<10240x128xf32, #tpu.memory_space<hbm>>) target(%dma_start3A_170 : memref<128x128xf32, #tpu.memory_space<vmem>>) offsets(%dma_start3A_173 : memref<128xi32, #tpu.memory_space<vmem>>) semaphore(%dma_start3A_178 : memref<!tpu.dma_semaphore, #tpu.memory_space<semaphore_mem>>)
          } else {
          }
          %dma_wait3A_137 = arith.constant 1 : i32
          %dma_wait3A_138 = arith.constant 0 : i32
          %dma_wait3A_139 = arith.constant 1 : i32
          %dma_wait3A_140 = arith.constant 0 : i32
          %dma_wait3A_141 = arith.constant 0 : i32
          %dma_wait3A_142 = tpu.memref_slice %arg9[%dma_wait3A_137, %dma_wait3A_140, %dma_wait3A_141] : memref<2x128x128xf32, #tpu.memory_space<vmem>> -> memref<1x128x128xf32, #tpu.memory_space<vmem>>
          %dma_wait3A_143 = tpu.memref_squeeze %dma_wait3A_142 : memref<1x128x128xf32, #tpu.memory_space<vmem>> -> memref<128x128xf32, #tpu.memory_space<vmem>>
          %dma_wait3A_144 = arith.constant 0 : i32
          %dma_wait3A_145 = tpu.memref_slice %arg8[%dma_wait3A_138, %dma_wait3A_144] : memref<40x128xi32, #tpu.memory_space<vmem>> -> memref<1x128xi32, #tpu.memory_space<vmem>>
          %dma_wait3A_146 = tpu.memref_squeeze %dma_wait3A_145 : memref<1x128xi32, #tpu.memory_space<vmem>> -> memref<128xi32, #tpu.memory_space<vmem>>
          %dma_wait3A_147 = arith.constant 0 : i32
          %dma_wait3A_148 = arith.constant 0 : i32
          %dma_wait3A_149 = tpu.memref_slice %arg10[%dma_wait3A_147, %dma_wait3A_148] : memref<10240x128xf32, #tpu.memory_space<vmem_shared>> -> memref<10240x128xf32, #tpu.memory_space<vmem_shared>>
          %dma_wait3A_150 = tpu.memref_slice %arg12[%dma_wait3A_139] : memref<2x!tpu.dma_semaphore, #tpu.memory_space<semaphore_mem>> -> memref<1x!tpu.dma_semaphore, #tpu.memory_space<semaphore_mem>>
          %dma_wait3A_151 = tpu.memref_squeeze %dma_wait3A_150 : memref<1x!tpu.dma_semaphore, #tpu.memory_space<semaphore_mem>> -> memref<!tpu.dma_semaphore, #tpu.memory_space<semaphore_mem>>
          tpu.wait_indirect_dma semaphore(%dma_wait3A_151 : memref<!tpu.dma_semaphore, #tpu.memory_space<semaphore_mem>>) src(%dma_wait3A_143 : memref<128x128xf32, #tpu.memory_space<vmem>>) dst(%dma_wait3A_149 : memref<10240x128xf32, #tpu.memory_space<vmem_shared>>)
          %add3A_152 = arith.constant 2 : i32
          %add3A_153 = arith.addi %mul3A_52, %add3A_152 : i32
          %add3A_154 = arith.constant 1 : i32
          %add3A_155 = arith.addi %add3A_153, %add3A_154 : i32
          %lt3A_156 = arith.constant 40 : i32
          %lt3A_157 = arith.cmpi slt, %add3A_155, %lt3A_156 : i32
          %convert_element_type3A_158 = arith.extui %lt3A_157 : i1 to i32
          %cond3A_159 = arith.constant 0 : i32
          %cond3A_160 = arith.cmpi ne, %convert_element_type3A_158, %cond3A_159 : i32
          scf.if %cond3A_160 {
            %add3A_161 = arith.constant 2 : i32
            %add3A_162 = arith.addi %mul3A_52, %add3A_161 : i32
            %add3A_163 = arith.constant 1 : i32
            %add3A_164 = arith.addi %add3A_162, %add3A_163 : i32
            %dma_start3A_165 = arith.constant 1 : i32
            %dma_start3A_166 = arith.constant 1 : i32
            %dma_start3A_167 = arith.constant 0 : i32
            %dma_start3A_168 = arith.constant 0 : i32
            %dma_start3A_169 = tpu.memref_slice %arg9[%dma_start3A_165, %dma_start3A_167, %dma_start3A_168] : memref<2x128x128xf32, #tpu.memory_space<vmem>> -> memref<1x128x128xf32, #tpu.memory_space<vmem>>
            %dma_start3A_170 = tpu.memref_squeeze %dma_start3A_169 : memref<1x128x128xf32, #tpu.memory_space<vmem>> -> memref<128x128xf32, #tpu.memory_space<vmem>>
            %dma_start3A_171 = arith.constant 0 : i32
            %dma_start3A_172 = tpu.memref_slice %arg7[%add3A_164, %dma_start3A_171] : memref<40x128xi32, #tpu.memory_space<vmem>> -> memref<1x128xi32, #tpu.memory_space<vmem>>
            %dma_start3A_173 = tpu.memref_squeeze %dma_start3A_172 : memref<1x128xi32, #tpu.memory_space<vmem>> -> memref<128xi32, #tpu.memory_space<vmem>>
            %dma_start3A_174 = arith.constant 0 : i32
            %dma_start3A_175 = arith.constant 0 : i32
            %dma_start3A_176 = tpu.memref_slice %arg2[%dma_start3A_174, %dma_start3A_175] : memref<10240x128xf32, #tpu.memory_space<hbm>> -> memref<10240x128xf32, #tpu.memory_space<hbm>>
            %dma_start3A_177 = tpu.memref_slice %arg11[%dma_start3A_166] : memref<2x!tpu.dma_semaphore, #tpu.memory_space<semaphore_mem>> -> memref<1x!tpu.dma_semaphore, #tpu.memory_space<semaphore_mem>>
            %dma_start3A_178 = tpu.memref_squeeze %dma_start3A_177 : memref<1x!tpu.dma_semaphore, #tpu.memory_space<semaphore_mem>> -> memref<!tpu.dma_semaphore, #tpu.memory_space<semaphore_mem>>
            tpu.enqueue_indirect_dma source(%dma_start3A_176 : memref<10240x128xf32, #tpu.memory_space<hbm>>) target(%dma_start3A_170 : memref<128x128xf32, #tpu.memory_space<vmem>>) offsets(%dma_start3A_173 : memref<128xi32, #tpu.memory_space<vmem>>) semaphore(%dma_start3A_178 : memref<!tpu.dma_semaphore, #tpu.memory_space<semaphore_mem>>)
          } else {
          }
        }
        %scan3A_49 = arith.constant 20 : i32
      }
      %scan3A_10 = arith.constant 4 : i32
    } else {
    }
    %barrier3A_3 = arith.constant 0 : index
    tpu.barrier barrier_id(%barrier3A_3)
    "tpu.region"() ({
      %run_scoped3A = tpu.sem_alloc : memref<!tpu.dma_semaphore, #tpu.memory_space<semaphore_mem>>
      %dma_start3A = arith.constant 0 : i32
      %dma_start3A_4 = arith.constant 0 : i32
      %dma_start3A_5 = tpu.memref_slice %arg6[%arg0, %dma_start3A, %dma_start3A_4] : memref<2x10240x128xf32, #tpu.memory_space<hbm>> -> memref<1x10240x128xf32, #tpu.memory_space<hbm>>
      %dma_start3A_6 = tpu.memref_squeeze %dma_start3A_5 : memref<1x10240x128xf32, #tpu.memory_space<hbm>> -> memref<10240x128xf32, #tpu.memory_space<hbm>>
      %dma_start3A_7 = arith.constant 0 : i32
      %dma_start3A_8 = tpu.memref_slice %dma_start3A_6[%multiple_of3A, %dma_start3A_7] : memref<10240x128xf32, #tpu.memory_space<hbm>> -> memref<640x128xf32, #tpu.memory_space<hbm>>
      %dma_start3A_9 = arith.constant 0 : i32
      %dma_start3A_10 = tpu.memref_slice %arg10[%multiple_of3A, %dma_start3A_9] : memref<10240x128xf32, #tpu.memory_space<vmem_shared>> -> memref<640x128xf32, #tpu.memory_space<vmem_shared>>
      tpu.enqueue_dma source(%dma_start3A_10 : memref<640x128xf32, #tpu.memory_space<vmem_shared>>) target(%dma_start3A_8 : memref<640x128xf32, #tpu.memory_space<hbm>>) target_semaphore(%run_scoped3A : memref<!tpu.dma_semaphore, #tpu.memory_space<semaphore_mem>>)
      %dma_wait3A = arith.constant 0 : i32
      %dma_wait3A_11 = arith.constant 0 : i32
      %dma_wait3A_12 = tpu.memref_slice %arg6[%arg0, %dma_wait3A, %dma_wait3A_11] : memref<2x10240x128xf32, #tpu.memory_space<hbm>> -> memref<1x10240x128xf32, #tpu.memory_space<hbm>>
      %dma_wait3A_13 = tpu.memref_squeeze %dma_wait3A_12 : memref<1x10240x128xf32, #tpu.memory_space<hbm>> -> memref<10240x128xf32, #tpu.memory_space<hbm>>
      %dma_wait3A_14 = arith.constant 0 : i32
      %dma_wait3A_15 = tpu.memref_slice %dma_wait3A_13[%multiple_of3A, %dma_wait3A_14] : memref<10240x128xf32, #tpu.memory_space<hbm>> -> memref<640x128xf32, #tpu.memory_space<hbm>>
      %dma_wait3A_16 = arith.constant 0 : i32
      %dma_wait3A_17 = tpu.memref_slice %arg10[%multiple_of3A, %dma_wait3A_16] : memref<10240x128xf32, #tpu.memory_space<vmem_shared>> -> memref<640x128xf32, #tpu.memory_space<vmem_shared>>
      tpu.wait_dma2 semaphore(%run_scoped3A : memref<!tpu.dma_semaphore, #tpu.memory_space<semaphore_mem>>) src(%dma_wait3A_17 : memref<640x128xf32, #tpu.memory_space<vmem_shared>>) dst(%dma_wait3A_15 : memref<640x128xf32, #tpu.memory_space<hbm>>)
      tpu.yield
    }) : () -> ()
    return
  }
}

module attributes {stable_mosaic.version = 14 : i64} {
  func.func @body(%arg0: memref<10240x128xf32, #tpu.memory_space<vmem>>, %arg1: memref<128x128xf32, #tpu.memory_space<vmem>>, %arg2: memref<2x10240x1xf32, #tpu.memory_space<vmem>>, %arg3: memref<10240x128xf32, #tpu.memory_space<vmem>>) attributes {dimension_semantics = [], scalar_prefetch = 0 : i64, scratch_operands = 0 : i64, tpu.core_type = #tpu.core_type<tc>} {
    %get3A = arith.constant 0 : index
    %get3A_0 = arith.constant 0 : index
    %get3A_1 = arith.constant 0 : index
    %get3A_2 = vector.load %arg2[%get3A, %get3A_0, %get3A_1] : memref<2x10240x1xf32, #tpu.memory_space<vmem>>, vector<1x10240x1xf32>
    %get3A_3 = vector.shape_cast %get3A_2 : vector<1x10240x1xf32> to vector<10240x1xf32>
    %get3A_4 = arith.constant 1 : index
    %get3A_5 = arith.constant 0 : index
    %get3A_6 = arith.constant 0 : index
    %get3A_7 = vector.load %arg2[%get3A_4, %get3A_5, %get3A_6] : memref<2x10240x1xf32, #tpu.memory_space<vmem>>, vector<1x10240x1xf32>
    %get3A_8 = vector.shape_cast %get3A_7 : vector<1x10240x1xf32> to vector<10240x1xf32>
    %add3A = arith.addf %get3A_3, %get3A_8 : vector<10240x1xf32>
    %add3A_9 = arith.constant 1.000000e+00 : f32
    %add3A_10 = vector.broadcast %add3A_9 : f32 to vector<10240x1xf32>
    %add3A_11 = arith.addf %add3A, %add3A_10 : vector<10240x1xf32>
    %rsqrt3A = math.rsqrt %add3A_11 : vector<10240x1xf32>
    %get3A_12 = arith.constant 0 : index
    %get3A_13 = arith.constant 0 : index
    %get3A_14 = vector.load %arg0[%get3A_12, %get3A_13] : memref<10240x128xf32, #tpu.memory_space<vmem>>, vector<10240x128xf32>
    %get3A_15 = arith.constant 0 : index
    %get3A_16 = arith.constant 0 : index
    %get3A_17 = vector.load %arg1[%get3A_15, %get3A_16] : memref<128x128xf32, #tpu.memory_space<vmem>>, vector<128x128xf32>
    %dot_general3A = arith.constant dense<0.000000e+00> : vector<10240x128xf32>
    %dot_general3A_18 = tpu.matmul %get3A_14, %get3A_17, %dot_general3A {dimension_numbers = #tpu.dot_dimension_numbers<[1], [0], [0], [1], [0, 0, 1, 1], [], []>, transpose_lhs_hint = false} : vector<10240x128xf32>, vector<128x128xf32>, vector<10240x128xf32> -> vector<10240x128xf32>
    %mul3A = vector.broadcast %rsqrt3A : vector<10240x1xf32> to vector<10240x128xf32>
    %mul3A_19 = arith.mulf %dot_general3A_18, %mul3A : vector<10240x128xf32>
    %swap3A = arith.constant 0 : index
    %swap3A_20 = arith.constant 0 : index
    %swap3A_21 = vector.load %arg3[%swap3A, %swap3A_20] : memref<10240x128xf32, #tpu.memory_space<vmem>>, vector<10240x128xf32>
    tpu.vector_store %arg3[%swap3A, %swap3A_20], %mul3A_19 {strides = array<i32>} : memref<10240x128xf32, #tpu.memory_space<vmem>>, vector<10240x128xf32>,
    return
  }
}

module attributes {stable_mosaic.version = 14 : i64} {
  func.func @body(%arg0: memref<2x10240x128xf32, #tpu.memory_space<vmem>>, %arg1: memref<10240x128xf32, #tpu.memory_space<vmem>>, %arg2: memref<2x10240x1xf32, #tpu.memory_space<vmem>>, %arg3: memref<128x64xf32, #tpu.memory_space<vmem>>, %arg4: memref<1x128xf32, #tpu.memory_space<vmem>>, %arg5: memref<10240x128xf32, #tpu.memory_space<vmem>>) attributes {dimension_semantics = [], scalar_prefetch = 0 : i64, scratch_operands = 0 : i64, tpu.core_type = #tpu.core_type<tc>} {
    %get3A = arith.constant 0 : index
    %get3A_0 = arith.constant 0 : index
    %get3A_1 = arith.constant 0 : index
    %get3A_2 = vector.load %arg2[%get3A, %get3A_0, %get3A_1] : memref<2x10240x1xf32, #tpu.memory_space<vmem>>, vector<1x10240x1xf32>
    %get3A_3 = vector.shape_cast %get3A_2 : vector<1x10240x1xf32> to vector<10240x1xf32>
    %get3A_4 = arith.constant 1 : index
    %get3A_5 = arith.constant 0 : index
    %get3A_6 = arith.constant 0 : index
    %get3A_7 = vector.load %arg2[%get3A_4, %get3A_5, %get3A_6] : memref<2x10240x1xf32, #tpu.memory_space<vmem>>, vector<1x10240x1xf32>
    %get3A_8 = vector.shape_cast %get3A_7 : vector<1x10240x1xf32> to vector<10240x1xf32>
    %add3A = arith.addf %get3A_3, %get3A_8 : vector<10240x1xf32>
    %add3A_9 = arith.constant 1.000000e+00 : f32
    %add3A_10 = vector.broadcast %add3A_9 : f32 to vector<10240x1xf32>
    %add3A_11 = arith.addf %add3A, %add3A_10 : vector<10240x1xf32>
    %rsqrt3A = math.rsqrt %add3A_11 : vector<10240x1xf32>
    %get3A_12 = arith.constant 0 : index
    %get3A_13 = arith.constant 0 : index
    %get3A_14 = arith.constant 0 : index
    %get3A_15 = vector.load %arg0[%get3A_12, %get3A_13, %get3A_14] : memref<2x10240x128xf32, #tpu.memory_space<vmem>>, vector<1x10240x128xf32>
    %get3A_16 = vector.shape_cast %get3A_15 : vector<1x10240x128xf32> to vector<10240x128xf32>
    %get3A_17 = arith.constant 1 : index
    %get3A_18 = arith.constant 0 : index
    %get3A_19 = arith.constant 0 : index
    %get3A_20 = vector.load %arg0[%get3A_17, %get3A_18, %get3A_19] : memref<2x10240x128xf32, #tpu.memory_space<vmem>>, vector<1x10240x128xf32>
    %get3A_21 = vector.shape_cast %get3A_20 : vector<1x10240x128xf32> to vector<10240x128xf32>
    %add3A_22 = arith.addf %get3A_16, %get3A_21 : vector<10240x128xf32>
    %get3A_23 = arith.constant 0 : index
    %get3A_24 = arith.constant 0 : index
    %get3A_25 = vector.load %arg1[%get3A_23, %get3A_24] : memref<10240x128xf32, #tpu.memory_space<vmem>>, vector<10240x128xf32>
    %add3A_26 = arith.addf %add3A_22, %get3A_25 : vector<10240x128xf32>
    %mul3A = vector.broadcast %rsqrt3A : vector<10240x1xf32> to vector<10240x128xf32>
    %mul3A_27 = arith.mulf %add3A_26, %mul3A : vector<10240x128xf32>
    %get3A_28 = arith.constant 0 : index
    %get3A_29 = arith.constant 0 : index
    %get3A_30 = vector.load %arg4[%get3A_28, %get3A_29] : memref<1x128xf32, #tpu.memory_space<vmem>>, vector<1x128xf32>
    %add3A_31 = vector.broadcast %get3A_30 : vector<1x128xf32> to vector<10240x128xf32>
    %add3A_32 = arith.addf %mul3A_27, %add3A_31 : vector<10240x128xf32>
    %max3A = arith.constant 0.000000e+00 : f32
    %max3A_33 = vector.broadcast %max3A : f32 to vector<10240x128xf32>
    %max3A_34 = arith.maximumf %add3A_32, %max3A_33 : vector<10240x128xf32>
    %get3A_35 = arith.constant 0 : index
    %get3A_36 = arith.constant 0 : index
    %get3A_37 = vector.load %arg3[%get3A_35, %get3A_36] : memref<128x64xf32, #tpu.memory_space<vmem>>, vector<128x64xf32>
    %dot_general3A = arith.constant dense<0.000000e+00> : vector<10240x64xf32>
    %dot_general3A_38 = tpu.matmul %max3A_34, %get3A_37, %dot_general3A {dimension_numbers = #tpu.dot_dimension_numbers<[1], [0], [0], [1], [0, 0, 1, 1], [], []>, transpose_lhs_hint = false} : vector<10240x128xf32>, vector<128x64xf32>, vector<10240x64xf32> -> vector<10240x64xf32>
    %mul3A_39 = vector.broadcast %rsqrt3A : vector<10240x1xf32> to vector<10240x64xf32>
    %mul3A_40 = arith.mulf %dot_general3A_38, %mul3A_39 : vector<10240x64xf32>
    %broadcast_in_dim3A = arith.constant 0.000000e+00 : f32
    %broadcast_in_dim3A_41 = vector.broadcast %broadcast_in_dim3A : f32 to vector<10240x64xf32>
    %concatenate3A = tpu.concatenate %mul3A_40, %broadcast_in_dim3A_41 in 1 : vector<10240x64xf32>, vector<10240x64xf32> -> vector<10240x128xf32>
    %swap3A = arith.constant 0 : index
    %swap3A_42 = arith.constant 0 : index
    %swap3A_43 = vector.load %arg5[%swap3A, %swap3A_42] : memref<10240x128xf32, #tpu.memory_space<vmem>>, vector<10240x128xf32>
    tpu.vector_store %arg5[%swap3A, %swap3A_42], %concatenate3A {strides = array<i32>} : memref<10240x128xf32, #tpu.memory_space<vmem>>, vector<10240x128xf32>,
    return
  }
}

module attributes {stable_mosaic.version = 14 : i64} {
  func.func @body(%arg0: memref<2x10240x128xf32, #tpu.memory_space<vmem>>, %arg1: memref<10240x128xf32, #tpu.memory_space<vmem>>, %arg2: memref<2x10240x1xf32, #tpu.memory_space<vmem>>, %arg3: memref<1x64xf32, #tpu.memory_space<vmem>>, %arg4: memref<10240x64xf32, #tpu.memory_space<vmem>>) attributes {dimension_semantics = [], scalar_prefetch = 0 : i64, scratch_operands = 0 : i64, tpu.core_type = #tpu.core_type<tc>} {
    %get3A = arith.constant 0 : index
    %get3A_0 = arith.constant 0 : index
    %get3A_1 = arith.constant 0 : index
    %get3A_2 = vector.load %arg2[%get3A, %get3A_0, %get3A_1] : memref<2x10240x1xf32, #tpu.memory_space<vmem>>, vector<1x10240x1xf32>
    %get3A_3 = vector.shape_cast %get3A_2 : vector<1x10240x1xf32> to vector<10240x1xf32>
    %get3A_4 = arith.constant 1 : index
    %get3A_5 = arith.constant 0 : index
    %get3A_6 = arith.constant 0 : index
    %get3A_7 = vector.load %arg2[%get3A_4, %get3A_5, %get3A_6] : memref<2x10240x1xf32, #tpu.memory_space<vmem>>, vector<1x10240x1xf32>
    %get3A_8 = vector.shape_cast %get3A_7 : vector<1x10240x1xf32> to vector<10240x1xf32>
    %add3A = arith.addf %get3A_3, %get3A_8 : vector<10240x1xf32>
    %add3A_9 = arith.constant 1.000000e+00 : f32
    %add3A_10 = vector.broadcast %add3A_9 : f32 to vector<10240x1xf32>
    %add3A_11 = arith.addf %add3A, %add3A_10 : vector<10240x1xf32>
    %rsqrt3A = math.rsqrt %add3A_11 : vector<10240x1xf32>
    %get3A_12 = arith.constant 0 : index
    %get3A_13 = arith.constant 0 : index
    %get3A_14 = arith.constant 0 : index
    %get3A_15 = vector.load %arg0[%get3A_12, %get3A_13, %get3A_14] : memref<2x10240x128xf32, #tpu.memory_space<vmem>>, vector<1x10240x64xf32>
    %get3A_16 = vector.shape_cast %get3A_15 : vector<1x10240x64xf32> to vector<10240x64xf32>
    %get3A_17 = arith.constant 1 : index
    %get3A_18 = arith.constant 0 : index
    %get3A_19 = arith.constant 0 : index
    %get3A_20 = vector.load %arg0[%get3A_17, %get3A_18, %get3A_19] : memref<2x10240x128xf32, #tpu.memory_space<vmem>>, vector<1x10240x64xf32>
    %get3A_21 = vector.shape_cast %get3A_20 : vector<1x10240x64xf32> to vector<10240x64xf32>
    %add3A_22 = arith.addf %get3A_16, %get3A_21 : vector<10240x64xf32>
    %get3A_23 = arith.constant 0 : index
    %get3A_24 = arith.constant 0 : index
    %get3A_25 = vector.load %arg1[%get3A_23, %get3A_24] : memref<10240x128xf32, #tpu.memory_space<vmem>>, vector<10240x64xf32>
    %add3A_26 = arith.addf %add3A_22, %get3A_25 : vector<10240x64xf32>
    %mul3A = vector.broadcast %rsqrt3A : vector<10240x1xf32> to vector<10240x64xf32>
    %mul3A_27 = arith.mulf %add3A_26, %mul3A : vector<10240x64xf32>
    %get3A_28 = arith.constant 0 : index
    %get3A_29 = arith.constant 0 : index
    %get3A_30 = vector.load %arg3[%get3A_28, %get3A_29] : memref<1x64xf32, #tpu.memory_space<vmem>>, vector<1x64xf32>
    %add3A_31 = vector.broadcast %get3A_30 : vector<1x64xf32> to vector<10240x64xf32>
    %add3A_32 = arith.addf %mul3A_27, %add3A_31 : vector<10240x64xf32>
    %reduce_max3A = arith.constant dense<0xFF800000> : vector<10240xf32>
    %reduce_max3A_33 = vector.multi_reduction <maximumf>, %add3A_32, %reduce_max3A [1] : vector<10240x64xf32> to vector<10240xf32>
    %broadcast_in_dim3A = vector.shape_cast %reduce_max3A_33 : vector<10240xf32> to vector<10240x1xf32>
    %sub3A = vector.broadcast %broadcast_in_dim3A : vector<10240x1xf32> to vector<10240x64xf32>
    %sub3A_34 = arith.subf %add3A_32, %sub3A : vector<10240x64xf32>
    %exp3A = math.exp %sub3A_34 : vector<10240x64xf32>
    %reduce_sum3A = arith.constant dense<0.000000e+00> : vector<10240xf32>
    %reduce_sum3A_35 = vector.multi_reduction <add>, %exp3A, %reduce_sum3A [1] : vector<10240x64xf32> to vector<10240xf32>
    %broadcast_in_dim3A_36 = vector.shape_cast %reduce_sum3A_35 : vector<10240xf32> to vector<10240x1xf32>
    %div3A = vector.broadcast %broadcast_in_dim3A_36 : vector<10240x1xf32> to vector<10240x64xf32>
    %div3A_37 = arith.divf %exp3A, %div3A : vector<10240x64xf32>
    %swap3A = arith.constant 0 : index
    %swap3A_38 = arith.constant 0 : index
    %swap3A_39 = vector.load %arg4[%swap3A, %swap3A_38] : memref<10240x64xf32, #tpu.memory_space<vmem>>, vector<10240x64xf32>
    tpu.vector_store %arg4[%swap3A, %swap3A_38], %div3A_37 {strides = array<i32>} : memref<10240x64xf32, #tpu.memory_space<vmem>>, vector<10240x64xf32>,
    return
  }
}

</mosaic_0001>

<sc_bundles>
// kernel: kernel.11.cloned.1.call-start
scs
__scs_entry_jumppad:
0x0: {  	(pc) =	sbr.rel $0x88, $3  }
0x1: {  	(tag) =	ssettag $0x0;
	lr =	simm.s32 $0x1  }
0x2: {  	[smem:$0x3F9B] =	sst lr;
	_ =	strace $0xD0000000  }
0x3: {  	_ = 	snop  }
0x4: {  	_ = 	snop  }
0x5: {  	_ = 	snop  }
0x6: {  	_ = 	snop  }
0x7: {  	_ = 	snop  }
__scs_overlays_trampoline_lowered:
0x8: {  	[smem:$0x3FAA] =	sst s0  }
0x9: {  	[smem:$0x3FAB] =	sst s1  }
0xa: {  	[smem:$0x3FAC] =	sst s2  }
0xb: {  	[smem:$0x3FAD] =	sst s3  }
0xc: {  	[smem:$0x3FAE] =	sst s4  }
0xd: {  	[smem:$0x3FAF] =	sst s5  }
0xe: {  	[smem:$0x3FB0] =	sst s6  }
0xf: {  	[smem:$0x3FB1] =	sst s7  }
0x10: {  	[smem:$0x3FB2] =	sst s8  }
0x11: {  	[smem:$0x3FB3] =	sst s9;
	s0 =	simm.s32 @!p0 $0x0  }
0x12: {  	s1 =	sld [smem:$0x3F99];
	s0 =	simm.s32 @p0 $0x1  }
0x13: {  	[smem:$0x3FB4] =	sst s0;
	s0 =	simm.s32 @!p1 $0x0  }
0x14: {  	s2 =	sld [smem:$0x3F98];
	s0 =	simm.s32 @p1 $0x1  }
0x15: {  	[smem:$0x3FB5] =	sst s0;
	s0 =	simm.s32 @!p2 $0x0  }
0x16: {  	s3 =	sld [smem:$0x3FDB];
	s0 =	simm.s32 @p2 $0x1  }
0x17: {  	s4 =	simm.s32 $0x1BF5;
	[smem:$0x3FB7] =	sst s0  }
0x18: {  	s0 =	sld [smem:$0x3F9A];
	_ =	swait.ge [sflag:s4], $0x0  }
0x19: {  	s7 =	sld [smem:$0x3F9B]  }
0x1a: {  	s8 =	sadd.s32 $0xFFFFE003, lr  }
0x1b: {  	s9 =	sadd.s32 $0xFFFFFEF7, lr;
	s5 =	simm.s32 $0xFFFFFFFF;
	p2 =	slt.u32 s8, $0xFFFFF086  }
0x1c: {  	p1 =	slt.u32 s9, $0xF7A;
	s5 =	simm.s32 @!p2 $0x0  }
0x1d: {  	s5 =	simm.s32 @p1 $0x1;
	p0 =	seq.s32 s7, s2  }
0x1e: {  	s7 =	smul.u32 @!p0 $0xF7A, s2;
	p2 =	seq.s32 @!p0 s5, $0x0  }
0x1f: {  	s9 =	smul.u32 $0xF7A, s1;
	s8 =	simm.s32 @!p0 $0x1BF5;
	p2 =	por !p2, p0  }
0x20: {  	[sflag:s8] =	ssyncset.s32 @!p0 $0xFFFFF086;
	s6 =	sadd.s32 @!p0 s3, s7;
	s7 =	simm.s32 @!p0 $0x108  }
0x21: {  	s3 =	sadd.s32 s3, s9;
	s6 =	sadd.s32 @!p0 $0x88, s6;
	s7 =	simm.s32 @p2 $0x1082  }
0x22: {  	[simem:s7], [sflag:s8] =	dma.local @!p0 [hbm:s6], $0xF7A  }
0x23: {  	s9 =	sor.u32 $0xD0000000, s2;
	s6 =	simm.s32 $0x108;
	_ =	swait.ge @!p0 [sflag:s8], $0x0  }
0x24: {  	s3 =	sadd.s32 $0x88, s3;
	s6 =	simm.s32 @!p1 $0x1082;
	[sflag:s4] =	ssyncset.s32 $0xFFFFF086  }
0x25: {  	[simem:s6], [sflag:s4] =	dma.local [hbm:s3], $0xF7A  }
0x26: {  	[smem:$0x3F9B] =	sst s1;
	(tag) =	ssettag s2;
	_ =	strace s9  }
0x27: {  	s1 =	sld [smem:$0x3FAB]  }
0x28: {  	s2 =	sld [smem:$0x3FAC]  }
0x29: {  	s4 =	sld [smem:$0x3FAE]  }
0x2a: {  	p0 =	seq.s32 s5, $0x0;
	s5 =	sld [smem:$0x3FAF]  }
0x2b: {  	s6 =	sld [smem:$0x3FB0]  }
0x2c: {  	s7 =	sld [smem:$0x3FB1]  }
0x2d: {  	s3 =	simm.s32 $0x108;
	s8 =	sld [smem:$0x3FB2]  }
0x2e: {  	s3 =	simm.s32 @!p0 $0x1082;
	s9 =	sld [smem:$0x3FB3]  }
0x2f: {  	lr =	sadd.s32 s0, s3;
	s0 =	sld [smem:$0x3FAA]  }
0x30: {  	s3 =	sld [smem:$0x3FAD]  }
0x31: {  	[smem:$0x3FB6] =	sst s10  }
0x32: {  	s10 =	sld [smem:$0x3FB4];
	_ =	sdelay $0x3  }
0x33: {  	p0 =	seq.s32 s10, $0x1;
	s10 =	sld [smem:$0x3FB6];
	_ =	sdelay $0x3  }
0x34: {  	[smem:$0x3FB6] =	sst s10  }
0x35: {  	s10 =	sld [smem:$0x3FB5];
	_ =	sdelay $0x3  }
0x36: {  	p1 =	seq.s32 s10, $0x1;
	s10 =	sld [smem:$0x3FB6];
	_ =	sdelay $0x3  }
0x37: {  	[smem:$0x3FB6] =	sst s10  }
0x38: {  	s10 =	sld [smem:$0x3FB7]  }
0x39: {  	_ = 	snop;
	(pc) =	sbr.ind lr, $3  }
0x3a: {  	_ = 	snop  }
0x3b: {  	_ = 	snop  }
0x3c: {  	p2 =	seq.s32 s10, $0x1;
	s10 =	sld [smem:$0x3FB6]  }
0x3d: {  	_ =	shalt  }
0x3e: {  	_ =	shalt  }
0x3f: {  	_ =	shalt  }
0x40: {  	_ =	shalt  }
0x41: {  	_ =	shalt  }
0x42: {  	_ =	shalt  }
0x43: {  	_ =	shalt  }
0x44: {  	_ =	shalt  }
0x45: {  	_ =	shalt  }
0x46: {  	_ =	shalt  }
0x47: {  	_ =	shalt  }
0x48: {  	_ =	shalt  }
0x49: {  	_ =	shalt  }
0x4a: {  	_ =	shalt  }
0x4b: {  	_ =	shalt  }
0x4c: {  	_ =	shalt  }
0x4d: {  	_ =	shalt  }
0x4e: {  	_ =	shalt  }
0x4f: {  	_ =	shalt  }
0x50: {  	_ =	shalt  }
0x51: {  	_ =	shalt  }
0x52: {  	_ =	shalt  }
0x53: {  	_ =	shalt  }
0x54: {  	_ =	shalt  }
0x55: {  	_ =	shalt  }
0x56: {  	_ =	shalt  }
0x57: {  	_ =	shalt  }
0x58: {  	_ =	shalt  }
0x59: {  	_ =	shalt  }
0x5a: {  	_ =	shalt  }
0x5b: {  	_ =	shalt  }
0x5c: {  	_ =	shalt  }
0x5d: {  	_ =	shalt  }
0x5e: {  	_ =	shalt  }
0x5f: {  	_ =	shalt  }
0x60: {  	_ =	shalt  }
0x61: {  	_ =	shalt  }
0x62: {  	_ =	shalt  }
0x63: {  	_ =	shalt  }
0x64: {  	_ =	shalt  }
0x65: {  	_ =	shalt  }
0x66: {  	_ =	shalt  }
0x67: {  	_ =	shalt  }
0x68: {  	_ =	shalt  }
0x69: {  	_ =	shalt  }
0x6a: {  	_ =	shalt  }
0x6b: {  	_ =	shalt  }
0x6c: {  	_ =	shalt  }
0x6d: {  	_ =	shalt  }
0x6e: {  	_ =	shalt  }
0x6f: {  	_ =	shalt  }
0x70: {  	_ =	shalt  }
0x71: {  	_ =	shalt  }
0x72: {  	_ =	shalt  }
0x73: {  	_ =	shalt  }
0x74: {  	_ =	shalt  }
0x75: {  	_ =	shalt  }
0x76: {  	_ =	shalt  }
0x77: {  	_ =	shalt  }
0x78: {  	_ =	shalt  }
0x79: {  	_ =	shalt  }
0x7a: {  	_ =	shalt  }
0x7b: {  	_ =	shalt  }
0x7c: {  	_ =	shalt  }
0x7d: {  	_ =	shalt  }
0x7e: {  	_ =	shalt  }
0x7f: {  	_ =	shalt  }
0x80: {  	_ =	shalt  }
0x81: {  	_ =	shalt  }
0x82: {  	_ =	shalt  }
0x83: {  	_ =	shalt  }
0x84: {  	_ =	shalt  }
0x85: {  	_ =	shalt  }
0x86: {  	_ =	shalt  }
0x87: {  	_ =	shalt  }
.Lfunc_end0:
.L_simem_size_0:
called_computation.1_lowered:
.L_overlay_start_0:
0x88: {  	s2 =	sld [smem:$0x3FD9]  }
0x89: {  	s3 =	sld [smem:$0x3FFE];
	_ =	sdelay $0x1  }
0x8a: {  	s1 =	srdreg.scid  }
0x8b: {  	s0 =	sand.u32 $0x1, s1  }
0x8c: {  	s17 =	sshll.u32 s0, $0xA;
	s2 =	sadd.s32 s3, s2  }
0x8d: {  	s2 =	sadd.s32 s2, s17  }
0x8e: {  	[smem:$0x3FC2] =	sst s2  }
0x8f: {  	_ = 	snop  }
0x90: {  	s2 =	sld [smem:$0x3FD0];
	(tm) =	ssettm $0x1  }
0x91: {  	s18 =	sld [smem:$0x3FFB];
	_ =	sdelay $0x3  }
0x92: {  	_ =	strace s18  }
0x93: {  	s3 =	sld [smem:$0x3FFC];
	_ =	sdelay $0x3  }
0x94: {  	_ =	strace s3  }
0x95: {  	s3 =	sld [smem:$0x3FFD];
	_ =	sdelay $0x3  }
0x96: {  	_ =	strace s3  }
0x97: {  	_ =	strace $0x8FFFFFFF  }
0x98: {  	s19 =	sld [smem:$0x3FDB];
	_ =	sdelay $0x1  }
0x99: {  	s4 =	simm.s32 $_scs_section_size  }
0x9a: {  	s5 =	simm.s32 $_size__tile_overlayer_lowered;
	s6 =	simm.s32 $_tile_overlayer_lowered  }
0x9b: {  	s22 =	simm.s32 $0x1BFF;
	s21 =	sshll.u32 s6, $0x1;
	s3 =	sadd.s32 s4, s19  }
0x9c: {  	s7 =	simm.s32 $0x0;
	s20 =	sshll.u32 s5, $0x1;
	s5 =	sadd.s32 s21, s3  }
0x9d: {  	[timem:s7], [sflag:s22] =	dma.local [hbm:s5], s20  }
0x9e: {  	_ =	swait.ge [sflag:s22], s20  }
0x9f: {  	s4 =	ssub.s32 $0x0, s20;
	[sflag:s22] =	ssyncset.done $0x0  }
0xa0: {  	[sflag:s22] =	ssyncadd.s32 s4;
	_ =	sdelay $0x1  }
0xa1: {  	s23 =	simm.s32 $0x1B8B  }
0xa2: {  	_ =	swait.ge [sflag:s23], $0x1  }
0xa3: {  	[sflag:s23] =	ssyncset.done $0x0  }
0xa4: {  	s25 =	simm.s32 $0x1B8E;
	s24 =	sld [smem:$0x3FFE];
	[sflag:s23] =	ssyncadd.s32 $0xFFFFFFFF  }
0xa5: {  	s26 =	simm.s32 $execute0_lowered;
	[smem:$0x3FD2] =	sst s25  }
0xa6: {  	s5 =	sshll.u32 s26, $0x1;
	_ =	strace $0x80000049;
	[dreg:$0x1] =	wrdreg $0xFFFFFFFF  }
0xa7: {  	s28 =	simm.s32 $_size_execute0_lowered;
	s3 =	sadd.s32 s3, s5;
	[dreg:$0x0] =	wrdreg $0x0  }
0xa8: {  	s5 =	sshll.u32 s28, $0x1;
	[dreg:$0x2] =	wrdreg s3  }
0xa9: {  	[dreg:$0x3] =	wrdreg s5  }
0xaa: {  	[dreg:$0x4] =	wrdreg $0xC0  }
0xab: {  	_ =	task [dreg:s7], $0x5FFFF  }
0xac: {  	[dreg:$0x1] =	wrdreg $0xFFFFFFFF  }
0xad: {  	[dreg:$0x0] =	wrdreg $0x60  }
0xae: {  	[dreg:$0x2] =	wrdreg s24  }
0xaf: {  	[dreg:$0x3] =	wrdreg s2  }
0xb0: {  	[dreg:$0x4] =	wrdreg $0xA8000  }
0xb1: {  	[dreg:$0x5] =	wrdreg $0x9  }
0xb2: {  	_ =	task.clear_ibuf [dreg:s7], $0x6FFFF;
	_ =	strace $0x90000049  }
0xb3: {  	s29 =	simm.s32 $0x9;
	_ =	strace $0x8000004B  }
0xb4: {  	_ =	swait.ge [sflag:s29], $0x1  }
0xb5: {  	[sflag:s29] =	ssyncadd.s32 $0xFFFFFFFF  }
0xb6: {  	_ =	strace $0x9000004B  }
0xb7: {  	_ =	sfence  }
0xb8: {  	s30 =	sld [smem:$0x0];
	_ =	sdelay $0x2  }
0xb9: {  	s31 =	sshll.u32 s1, $0xD;
	s1 =	sshrl.u32 s1, $0x2  }
0xba: {  	s3 =	sand.u32 $0x4000, s31;
	s1 =	sadd.s32 s1, s30  }
0xbb: {  	s0 =	sor.u32 s3, s0;
	s1 =	sshll.u32 s1, $0x11  }
0xbc: {  	s0 =	sor.u32 s1, s0  }
0xbd: {  	s0 =	sadd.s32 $0x8F2B, s0  }
0xbe: {  	[sflag:s0] =	ssyncadd.remote.s32 $0x1  }
0xbf: {  	_ =	sfence.sel $0xFFFF  }
0xc0: {  	[dreg:$0x0] =	wrdreg $0xFFFFFFFF;
	(pc) =	sbr.abs _section_cstart, $3  }
0xc1: {  	[dreg:$0x1] =	wrdreg $0xFFFFFFFF  }
0xc2: {  	_ =	task.clear_ibuf [dreg:s7], $0x2FFFF;
	_ =	strace $0x9FFFFFFF  }
0xc3: {  	(tm) =	ssettm $0x7FFFFFFF  }
tec
execute0_lowered:
.L_overlay_start_1:
0x0: {  	(tag) =	ssettag $0x1  }
0x1: {  	s8 =	rddreg [dreg:$0x0]  }
0x2: {  	s1 =	rddreg [dreg:$0x1]  }
0x3: {  	s2 =	rddreg [dreg:$0x2]  }
0x4: {  	s0 =	rddreg [dreg:$0x3];
	s3 =	simm.s32 $0x0;
	s4 =	srdreg.scid  }
0x5: {  	s15 =	simm.s32 $0x2800;
	s16 =	simm.s32 $0x6800;
	s17 =	simm.s32 $0x1  }
0x6: {  	s18 =	simm.s32 $0x2;
	s19 =	simm.s32 $0x3;
	s20 =	simm.s32 $0x4  }
0x7: {  	s21 =	simm.s32 $0x2700;
	s22 =	simm.s32 $0x2780;
	[smem:$0x7FF] =	sst s3  }
0x8: {  	s11 =	sand.u32 $0x1, s4;
	s4 =	stileid.u32;
	s5 =	sadd.s32 $0x5FA00, s8  }
0x9: {  	s6 =	sadd.s32 $0x2A00, s8;
	s7 =	sadd.s32 $0xD200, s8;
	s9 =	smul.u32 $0x28000, s11  }
0xa: {  	_ =	strace $0x8000004A;
	s10 =	ssub.s32 $0x2, s11;
	s12 =	smul.u32 $0x50000, s4  }
0xb: {  	s31 =	sshll.u32 s4, $0x6;
	s24 =	smul.u32 $0x2800, s4;
	p0 =	sne.s32 s11, $0x0  }
.Ltmp0:
0xc: {  	s13 =	sshrl.u32 s10, $0x1;
	s14 =	sadd.s32 s9, s8;
	(pc) =	sbr.rel .LBB2_1-.Ltmp0, $4  }
0xd: {  	s10 =	ssub.s32 s10, s13;
	s30 =	sshrl.u32 s12, $0x2;
	s8 =	smul.u32 $0xA0, s4  }
0xe: {  	s9 =	sor.u32 $0x1C05, s31;
	s13 =	simm.s32 $0x1400;
	s12 =	sadd.s32 s30, s2  }
0xf: {  	s23 =	sadd.s32 $0x87A00, s14;
	s10 =	smax.u32 s10, $0x1;
	s14 =	simm.s32 $0x80  }
0x10: {  	s11 =	sshrl.u32 s12, $0x3;
	s12 =	simm.s32 $0x5;
	s23 =	sadd.s32 s24, s23  }
.LBB2_5:
0x11: {  	s3 =	sadd.s32 $0x1, s3  }
0x12: {  	p1 =	sne.s32 s3, s10  }
.Ltmp1:
0x13: {  	[bflag:$0x0] =	sbarrier.arrive $0xFFFF;
	(pc) =	sbr.rel @!p1 .LBB2_6-.Ltmp1, $4  }
0x14: {  	[hbm:s23], [sflag:s9] =	dma.local [spmem:s11], $0x2800  }
0x15: {  	_ =	swait.ge [sflag:s12], $0x2800  }
0x16: {  	[sflag:s12] =	ssyncset.done $0x0  }
0x17: {  	[sflag:s12] =	ssyncadd.s32 $0xFFFFD800  }
.LBB2_1:
0x18: {  	[spmem:s11], [sflag:s9] =	dma.local [hbm:s7], $0x2800  }
.Ltmp2:
0x19: {  	_ =	swait.ge [sflag:s12], $0x2800;
	(pc) =	sbr.rel @p0 .LBB2_5-.Ltmp2, $4  }
0x1a: {  	[sflag:s12] =	ssyncset.done $0x0  }
0x1b: {  	[sflag:s12] =	ssyncadd.s32 $0xFFFFD800  }
0x1c: {  	[bflag:$0x0] =	sbarrier.arrive $0xFFFF  }
0x1d: {  	s24 =	simm.s32 $0x0  }
.LBB2_2:
0x1e: {  	s25 =	smul.u32 $0x28, s24;
	_ =	sdelay $0x1  }
0x1f: {  	s25 =	sadd.s32 s8, s25  }
0x20: {  	s25 =	sshll.u32 s25, $0x4  }
0x21: {  	s28 =	simm.s32 $0x0;
	s26 =	sadd.s32 s6, s25  }
0x22: {  	[tilespmem:s28], [sflag:$0x5] =	stream.linear.gather [hbm4b:s26+s28], $0x1400, $0x38;
	[tilespmem:$0x1E800] =	vst v63  }
0x23: {  	_ =	swait.ge [sflag:s12], $0x1400  }
0x24: {  	[sflag:s12] =	ssyncset.done $0x0  }
0x25: {  	s25 =	sadd.s32 s1, s25;
	[sflag:s12] =	ssyncadd.s32 $0xFFFFEC00  }
0x26: {  	[tilespmem:s13], [sflag:$0x5] =	stream.linear.gather [hbm4b:s25+s28], $0x1400, $0x38;
	[tilespmem:$0x1E800] =	vst v63  }
0x27: {  	_ =	swait.ge [sflag:s12], $0x1400  }
0x28: {  	[sflag:s12] =	ssyncset.done $0x0  }
0x29: {  	[sflag:s12] =	ssyncadd.s32 $0xFFFFEC00  }
0x2a: {  	[tilespmem:s15], [sflag:$0x1] =	stream.indirect.gather [hbm4b:s5+s14], $0x80, s28, s14, $0xb8;
	[tilespmem:$0x1E800] =	vst v63  }
0x2b: {  	_ = 	snop  }
0x2c: {  	[tilespmem:s16], [sflag:$0x2] =	stream.indirect.gather [hbm4b:s5+s14], $0x80, s14, s14, $0xb8;
	[tilespmem:$0x1E800] =	vst v63  }
0x2d: {  	_ =	swait.ge [sflag:s17], $0x4000  }
0x2e: {  	[sflag:s17] =	ssyncset.done $0x0  }
0x2f: {  	s29 =	simm.s32 $0x1400;
	[sflag:s17] =	ssyncadd.s32 $0xFFFFC000  }
0x30: {  	[spmem:s2] =	stream.indirect.scatter.add.f32 [tilespmem:s15], [sflag:$0x3], $0x80, s29, s14, $0xb8;
	[tilespmem:$0x1E800] =	vst v63  }
0x31: {  	_ =	swait.ge [sflag:s18], $0x4000  }
0x32: {  	[sflag:s18] =	ssyncset.done $0x0  }
0x33: {  	s30 =	simm.s32 $0x1480;
	[sflag:s18] =	ssyncadd.s32 $0xFFFFC000  }
0x34: {  	[spmem:s2] =	stream.indirect.scatter.add.f32 [tilespmem:s16], [sflag:$0x4], $0x80, s30, s14, $0xb8;
	[tilespmem:$0x1E800] =	vst v63  }
0x35: {  	_ =	swait.ge [sflag:s19], $0x4000  }
0x36: {  	[sflag:s19] =	ssyncset.done $0x0  }
0x37: {  	s31 =	simm.s32 $0x100;
	[sflag:s19] =	ssyncadd.s32 $0xFFFFC000  }
0x38: {  	[tilespmem:s15], [sflag:$0x1] =	stream.indirect.gather [hbm4b:s5+s14], $0x80, s31, s14, $0xb8;
	[tilespmem:$0x1E800] =	vst v63  }
0x39: {  	_ =	swait.ge [sflag:s20], $0x4000  }
0x3a: {  	[sflag:s20] =	ssyncset.done $0x0  }
0x3b: {  	s26 =	simm.s32 $0x180;
	s25 =	simm.s32 $0x400;
	[sflag:s20] =	ssyncadd.s32 $0xFFFFC000  }
.LBB2_3:
0x3c: {  	[tilespmem:s16], [sflag:$0x2] =	stream.indirect.gather [hbm4b:s5+s14], $0x80, s26, s14, $0xb8;
	[tilespmem:$0x1E800] =	vst v63  }
0x3d: {  	s26 =	smov.u32 s25  }
0x3e: {  	p1 =	sne.s32 s25, $0x4800;
	s25 =	sadd.s32 $0x400, s25;
	_ =	swait.ge [sflag:s17], $0x4000  }
0x3f: {  	s26 =	sshra.s32 s26, $0x2;
	[sflag:s17] =	ssyncset.done $0x0  }
0x40: {  	s28 =	sadd.s32 $0x1400, s26;
	[sflag:s17] =	ssyncadd.s32 $0xFFFFC000  }
0x41: {  	[spmem:s2] =	stream.indirect.scatter.add.f32 [tilespmem:s15], [sflag:$0x3], $0x80, s28, s14, $0xb8;
	[tilespmem:$0x1E800] =	vst v63  }
0x42: {  	_ =	swait.ge [sflag:s18], $0x4000  }
0x43: {  	[sflag:s18] =	ssyncset.done $0x0  }
0x44: {  	s28 =	sadd.s32 $0x1480, s26;
	[sflag:s18] =	ssyncadd.s32 $0xFFFFC000  }
0x45: {  	[spmem:s2] =	stream.indirect.scatter.add.f32 [tilespmem:s16], [sflag:$0x4], $0x80, s28, s14, $0xb8;
	[tilespmem:$0x1E800] =	vst v63  }
0x46: {  	_ =	swait.ge [sflag:s19], $0x4000  }
0x47: {  	[sflag:s19] =	ssyncset.done $0x0  }
.Ltmp3:
0x48: {  	s28 =	sadd.s32 $0x100, s26;
	[sflag:s19] =	ssyncadd.s32 $0xFFFFC000;
	(pc) =	sbr.rel @p1 .LBB2_3-.Ltmp3, $4  }
0x49: {  	[tilespmem:s15], [sflag:$0x1] =	stream.indirect.gather [hbm4b:s5+s14], $0x80, s28, s14, $0xb8;
	[tilespmem:$0x1E800] =	vst v63  }
0x4a: {  	_ =	swait.ge [sflag:s20], $0x4000  }
0x4b: {  	[sflag:s20] =	ssyncset.done $0x0  }
0x4c: {  	s26 =	sadd.s32 $0x180, s26;
	[sflag:s20] =	ssyncadd.s32 $0xFFFFC000  }
0x4d: {  	[tilespmem:s16], [sflag:$0x2] =	stream.indirect.gather [hbm4b:s5+s14], $0x80, s26, s14, $0xb8;
	[tilespmem:$0x1E800] =	vst v63  }
0x4e: {  	_ =	swait.ge [sflag:s17], $0x4000  }
0x4f: {  	[sflag:s17] =	ssyncset.done $0x0  }
0x50: {  	[sflag:s17] =	ssyncadd.s32 $0xFFFFC000  }
0x51: {  	[spmem:s2] =	stream.indirect.scatter.add.f32 [tilespmem:s15], [sflag:$0x3], $0x80, s21, s14, $0xb8;
	[tilespmem:$0x1E800] =	vst v63  }
0x52: {  	_ =	swait.ge [sflag:s18], $0x4000  }
0x53: {  	[sflag:s18] =	ssyncset.done $0x0  }
0x54: {  	s24 =	sadd.s32 $0x1, s24;
	[sflag:s18] =	ssyncadd.s32 $0xFFFFC000  }
0x55: {  	[spmem:s2] =	stream.indirect.scatter.add.f32 [tilespmem:s16], [sflag:$0x4], $0x80, s22, s14, $0xb8;
	[tilespmem:$0x1E800] =	vst v63  }
0x56: {  	p1 =	sne.s32 s24, $0x4;
	_ =	swait.ge [sflag:s19], $0x4000  }
.Ltmp4:
0x57: {  	[sflag:s19] =	ssyncset.done $0x0;
	(pc) =	sbr.rel @p1 .LBB2_2-.Ltmp4, $4  }
.Ltmp5:
0x58: {  	[sflag:s19] =	ssyncadd.s32 $0xFFFFC000;
	(pc) =	sbr.rel @!p1 .LBB2_5-.Ltmp5, $4  }
0x59: {  	_ =	swait.ge [sflag:s20], $0x4000  }
0x5a: {  	[sflag:s20] =	ssyncset.done $0x0  }
0x5b: {  	[sflag:s20] =	ssyncadd.s32 $0xFFFFC000  }
0x5c: {  	_ = 	snop  }
.LBB2_6:
0x5d: {  	_ =	sfence.sel $0x180000  }
0x5e: {  	[bflag:$0x0] =	sbarrier.arrive $0xFFFF  }
0x5f: {  	p0 =	sne.s32 s4, $0x0;
	_ =	strace $0x9000004A  }
0x60: {  	s0 =	sadd.s32 @!p0 $0x100000, s0;
	[bflag:$0x2] =	sbarrier.arrive $0xFFFF  }
0x61: {  	[sflag:s0] =	ssyncadd.tile.s32 @!p0 $0x1;
	_ =	shalt  }
.Lfunc_end2:
_tile_overlayer_lowered:
.L_overlay_start_2:
0x62: {  	(tag) =	ssettag $0x2  }
0x63: {  	s0 =	rddreg [dreg:$0x0];
	s2 =	stileid.u32  }
0x64: {  	s1 =	rddreg [dreg:$0x1];
	p0 =	sne.s32 s2, $0x0  }
0x65: {  	s3 =	rddreg [dreg:$0x2];
	[bflag:$0x3] =	sbarrier.arrive $0xFFFF;
	s2 =	simm.s32 @!p0 $0x1C05  }
0x66: {  	[timem:s3], [sflag:s2] =	dma.local @!p0 [hbm:s0], s1  }
0x67: {  	s0 =	simm.s32 @!p0 $0x5  }
0x68: {  	_ =	swait.ge @!p0 [sflag:s0], s1  }
0x69: {  	s1 =	ssub.s32 @!p0 $0x0, s1;
	[sflag:s0] =	ssyncset.done @!p0 $0x0  }
0x6a: {  	[sflag:s0] =	ssyncadd.s32 @!p0 s1  }
0x6b: {  	[bflag:$0x3] =	sbarrier.arrive $0xFFFF  }
0x6c: {  	_ =	shalt  }

// kernel: kernel.14.cloned.1.call-start
scs
__scs_entry_jumppad:
0x0: {  	(pc) =	sbr.rel $0x88, $3  }
0x1: {  	(tag) =	ssettag $0x0;
	lr =	simm.s32 $0x1  }
0x2: {  	[smem:$0x3F9B] =	sst lr;
	_ =	strace $0xD0000000  }
0x3: {  	_ = 	snop  }
0x4: {  	_ = 	snop  }
0x5: {  	_ = 	snop  }
0x6: {  	_ = 	snop  }
0x7: {  	_ = 	snop  }
__scs_overlays_trampoline_lowered:
0x8: {  	[smem:$0x3FAA] =	sst s0  }
0x9: {  	[smem:$0x3FAB] =	sst s1  }
0xa: {  	[smem:$0x3FAC] =	sst s2  }
0xb: {  	[smem:$0x3FAD] =	sst s3  }
0xc: {  	[smem:$0x3FAE] =	sst s4  }
0xd: {  	[smem:$0x3FAF] =	sst s5  }
0xe: {  	[smem:$0x3FB0] =	sst s6  }
0xf: {  	[smem:$0x3FB1] =	sst s7  }
0x10: {  	[smem:$0x3FB2] =	sst s8  }
0x11: {  	[smem:$0x3FB3] =	sst s9;
	s0 =	simm.s32 @!p0 $0x0  }
0x12: {  	s1 =	sld [smem:$0x3F99];
	s0 =	simm.s32 @p0 $0x1  }
0x13: {  	[smem:$0x3FB4] =	sst s0;
	s0 =	simm.s32 @!p1 $0x0  }
0x14: {  	s2 =	sld [smem:$0x3F98];
	s0 =	simm.s32 @p1 $0x1  }
0x15: {  	[smem:$0x3FB5] =	sst s0;
	s0 =	simm.s32 @!p2 $0x0  }
0x16: {  	s3 =	sld [smem:$0x3FDB];
	s0 =	simm.s32 @p2 $0x1  }
0x17: {  	s4 =	simm.s32 $0x1BF5;
	[smem:$0x3FB7] =	sst s0  }
0x18: {  	s0 =	sld [smem:$0x3F9A];
	_ =	swait.ge [sflag:s4], $0x0  }
0x19: {  	s7 =	sld [smem:$0x3F9B]  }
0x1a: {  	s8 =	sadd.s32 $0xFFFFE003, lr  }
0x1b: {  	s9 =	sadd.s32 $0xFFFFFEF7, lr;
	s5 =	simm.s32 $0xFFFFFFFF;
	p2 =	slt.u32 s8, $0xFFFFF086  }
0x1c: {  	p1 =	slt.u32 s9, $0xF7A;
	s5 =	simm.s32 @!p2 $0x0  }
0x1d: {  	s5 =	simm.s32 @p1 $0x1;
	p0 =	seq.s32 s7, s2  }
0x1e: {  	s7 =	smul.u32 @!p0 $0xF7A, s2;
	p2 =	seq.s32 @!p0 s5, $0x0  }
0x1f: {  	s9 =	smul.u32 $0xF7A, s1;
	s8 =	simm.s32 @!p0 $0x1BF5;
	p2 =	por !p2, p0  }
0x20: {  	[sflag:s8] =	ssyncset.s32 @!p0 $0xFFFFF086;
	s6 =	sadd.s32 @!p0 s3, s7;
	s7 =	simm.s32 @!p0 $0x108  }
0x21: {  	s3 =	sadd.s32 s3, s9;
	s6 =	sadd.s32 @!p0 $0x88, s6;
	s7 =	simm.s32 @p2 $0x1082  }
0x22: {  	[simem:s7], [sflag:s8] =	dma.local @!p0 [hbm:s6], $0xF7A  }
0x23: {  	s9 =	sor.u32 $0xD0000000, s2;
	s6 =	simm.s32 $0x108;
	_ =	swait.ge @!p0 [sflag:s8], $0x0  }
0x24: {  	s3 =	sadd.s32 $0x88, s3;
	s6 =	simm.s32 @!p1 $0x1082;
	[sflag:s4] =	ssyncset.s32 $0xFFFFF086  }
0x25: {  	[simem:s6], [sflag:s4] =	dma.local [hbm:s3], $0xF7A  }
0x26: {  	[smem:$0x3F9B] =	sst s1;
	(tag) =	ssettag s2;
	_ =	strace s9  }
0x27: {  	s1 =	sld [smem:$0x3FAB]  }
0x28: {  	s2 =	sld [smem:$0x3FAC]  }
0x29: {  	s4 =	sld [smem:$0x3FAE]  }
0x2a: {  	p0 =	seq.s32 s5, $0x0;
	s5 =	sld [smem:$0x3FAF]  }
0x2b: {  	s6 =	sld [smem:$0x3FB0]  }
0x2c: {  	s7 =	sld [smem:$0x3FB1]  }
0x2d: {  	s3 =	simm.s32 $0x108;
	s8 =	sld [smem:$0x3FB2]  }
0x2e: {  	s3 =	simm.s32 @!p0 $0x1082;
	s9 =	sld [smem:$0x3FB3]  }
0x2f: {  	lr =	sadd.s32 s0, s3;
	s0 =	sld [smem:$0x3FAA]  }
0x30: {  	s3 =	sld [smem:$0x3FAD]  }
0x31: {  	[smem:$0x3FB6] =	sst s10  }
0x32: {  	s10 =	sld [smem:$0x3FB4];
	_ =	sdelay $0x3  }
0x33: {  	p0 =	seq.s32 s10, $0x1;
	s10 =	sld [smem:$0x3FB6];
	_ =	sdelay $0x3  }
0x34: {  	[smem:$0x3FB6] =	sst s10  }
0x35: {  	s10 =	sld [smem:$0x3FB5];
	_ =	sdelay $0x3  }
0x36: {  	p1 =	seq.s32 s10, $0x1;
	s10 =	sld [smem:$0x3FB6];
	_ =	sdelay $0x3  }
0x37: {  	[smem:$0x3FB6] =	sst s10  }
0x38: {  	s10 =	sld [smem:$0x3FB7]  }
0x39: {  	_ = 	snop;
	(pc) =	sbr.ind lr, $3  }
0x3a: {  	_ = 	snop  }
0x3b: {  	_ = 	snop  }
0x3c: {  	p2 =	seq.s32 s10, $0x1;
	s10 =	sld [smem:$0x3FB6]  }
0x3d: {  	_ =	shalt  }
0x3e: {  	_ =	shalt  }
0x3f: {  	_ =	shalt  }
0x40: {  	_ =	shalt  }
0x41: {  	_ =	shalt  }
0x42: {  	_ =	shalt  }
0x43: {  	_ =	shalt  }
0x44: {  	_ =	shalt  }
0x45: {  	_ =	shalt  }
0x46: {  	_ =	shalt  }
0x47: {  	_ =	shalt  }
0x48: {  	_ =	shalt  }
0x49: {  	_ =	shalt  }
0x4a: {  	_ =	shalt  }
0x4b: {  	_ =	shalt  }
0x4c: {  	_ =	shalt  }
0x4d: {  	_ =	shalt  }
0x4e: {  	_ =	shalt  }
0x4f: {  	_ =	shalt  }
0x50: {  	_ =	shalt  }
0x51: {  	_ =	shalt  }
0x52: {  	_ =	shalt  }
0x53: {  	_ =	shalt  }
0x54: {  	_ =	shalt  }
0x55: {  	_ =	shalt  }
0x56: {  	_ =	shalt  }
0x57: {  	_ =	shalt  }
0x58: {  	_ =	shalt  }
0x59: {  	_ =	shalt  }
0x5a: {  	_ =	shalt  }
0x5b: {  	_ =	shalt  }
0x5c: {  	_ =	shalt  }
0x5d: {  	_ =	shalt  }
0x5e: {  	_ =	shalt  }
0x5f: {  	_ =	shalt  }
0x60: {  	_ =	shalt  }
0x61: {  	_ =	shalt  }
0x62: {  	_ =	shalt  }
0x63: {  	_ =	shalt  }
0x64: {  	_ =	shalt  }
0x65: {  	_ =	shalt  }
0x66: {  	_ =	shalt  }
0x67: {  	_ =	shalt  }
0x68: {  	_ =	shalt  }
0x69: {  	_ =	shalt  }
0x6a: {  	_ =	shalt  }
0x6b: {  	_ =	shalt  }
0x6c: {  	_ =	shalt  }
0x6d: {  	_ =	shalt  }
0x6e: {  	_ =	shalt  }
0x6f: {  	_ =	shalt  }
0x70: {  	_ =	shalt  }
0x71: {  	_ =	shalt  }
0x72: {  	_ =	shalt  }
0x73: {  	_ =	shalt  }
0x74: {  	_ =	shalt  }
0x75: {  	_ =	shalt  }
0x76: {  	_ =	shalt  }
0x77: {  	_ =	shalt  }
0x78: {  	_ =	shalt  }
0x79: {  	_ =	shalt  }
0x7a: {  	_ =	shalt  }
0x7b: {  	_ =	shalt  }
0x7c: {  	_ =	shalt  }
0x7d: {  	_ =	shalt  }
0x7e: {  	_ =	shalt  }
0x7f: {  	_ =	shalt  }
0x80: {  	_ =	shalt  }
0x81: {  	_ =	shalt  }
0x82: {  	_ =	shalt  }
0x83: {  	_ =	shalt  }
0x84: {  	_ =	shalt  }
0x85: {  	_ =	shalt  }
0x86: {  	_ =	shalt  }
0x87: {  	_ =	shalt  }
.Lfunc_end0:
.L_simem_size_0:
called_computation.2_lowered:
.L_overlay_start_0:
0x88: {  	s2 =	sld [smem:$0x3FD9]  }
0x89: {  	s3 =	sld [smem:$0x3FFE];
	_ =	sdelay $0x1  }
0x8a: {  	s1 =	srdreg.scid  }
0x8b: {  	s0 =	sand.u32 $0x1, s1  }
0x8c: {  	s17 =	sshll.u32 s0, $0xA;
	s2 =	sadd.s32 s3, s2  }
0x8d: {  	s2 =	sadd.s32 s2, s17  }
0x8e: {  	[smem:$0x3FC2] =	sst s2  }
0x8f: {  	_ = 	snop  }
0x90: {  	s2 =	sld [smem:$0x3FD0];
	(tm) =	ssettm $0x1  }
0x91: {  	s18 =	sld [smem:$0x3FFB];
	_ =	sdelay $0x3  }
0x92: {  	_ =	strace s18  }
0x93: {  	s3 =	sld [smem:$0x3FFC];
	_ =	sdelay $0x3  }
0x94: {  	_ =	strace s3  }
0x95: {  	s3 =	sld [smem:$0x3FFD];
	_ =	sdelay $0x3  }
0x96: {  	_ =	strace s3  }
0x97: {  	_ =	strace $0x8FFFFFFF  }
0x98: {  	s19 =	sld [smem:$0x3FDB];
	_ =	sdelay $0x1  }
0x99: {  	s4 =	simm.s32 $_scs_section_size  }
0x9a: {  	s5 =	simm.s32 $_size__tile_overlayer_lowered;
	s6 =	simm.s32 $_tile_overlayer_lowered  }
0x9b: {  	s22 =	simm.s32 $0x1BFF;
	s21 =	sshll.u32 s6, $0x1;
	s3 =	sadd.s32 s4, s19  }
0x9c: {  	s7 =	simm.s32 $0x0;
	s20 =	sshll.u32 s5, $0x1;
	s5 =	sadd.s32 s21, s3  }
0x9d: {  	[timem:s7], [sflag:s22] =	dma.local [hbm:s5], s20  }
0x9e: {  	_ =	swait.ge [sflag:s22], s20  }
0x9f: {  	s4 =	ssub.s32 $0x0, s20;
	[sflag:s22] =	ssyncset.done $0x0  }
0xa0: {  	[sflag:s22] =	ssyncadd.s32 s4;
	_ =	sdelay $0x1  }
0xa1: {  	s23 =	simm.s32 $0x1B8B  }
0xa2: {  	_ =	swait.ge [sflag:s23], $0x1  }
0xa3: {  	[sflag:s23] =	ssyncset.done $0x0  }
0xa4: {  	s25 =	simm.s32 $0x1B8E;
	s24 =	sld [smem:$0x3FFE];
	[sflag:s23] =	ssyncadd.s32 $0xFFFFFFFF  }
0xa5: {  	s26 =	simm.s32 $execute0_lowered;
	[smem:$0x3FD2] =	sst s25  }
0xa6: {  	s5 =	sshll.u32 s26, $0x1;
	_ =	strace $0x8000004C;
	[dreg:$0x1] =	wrdreg $0xFFFFFFFF  }
0xa7: {  	s28 =	simm.s32 $_size_execute0_lowered;
	s3 =	sadd.s32 s3, s5;
	[dreg:$0x0] =	wrdreg $0x0  }
0xa8: {  	s5 =	sshll.u32 s28, $0x1;
	[dreg:$0x2] =	wrdreg s3  }
0xa9: {  	[dreg:$0x3] =	wrdreg s5  }
0xaa: {  	[dreg:$0x4] =	wrdreg $0xC0  }
0xab: {  	_ =	task [dreg:s7], $0x5FFFF  }
0xac: {  	[dreg:$0x1] =	wrdreg $0xFFFFFFFF  }
0xad: {  	[dreg:$0x0] =	wrdreg $0x60  }
0xae: {  	[dreg:$0x2] =	wrdreg s24  }
0xaf: {  	[dreg:$0x3] =	wrdreg s2  }
0xb0: {  	[dreg:$0x4] =	wrdreg $0xA8000  }
0xb1: {  	[dreg:$0x5] =	wrdreg $0x9  }
0xb2: {  	_ =	task.clear_ibuf [dreg:s7], $0x6FFFF;
	_ =	strace $0x9000004C  }
0xb3: {  	s29 =	simm.s32 $0x9;
	_ =	strace $0x8000004E  }
0xb4: {  	_ =	swait.ge [sflag:s29], $0x1  }
0xb5: {  	[sflag:s29] =	ssyncadd.s32 $0xFFFFFFFF  }
0xb6: {  	_ =	strace $0x9000004E  }
0xb7: {  	_ =	sfence  }
0xb8: {  	s30 =	sld [smem:$0x0];
	_ =	sdelay $0x2  }
0xb9: {  	s31 =	sshll.u32 s1, $0xD;
	s1 =	sshrl.u32 s1, $0x2  }
0xba: {  	s3 =	sand.u32 $0x4000, s31;
	s1 =	sadd.s32 s1, s30  }
0xbb: {  	s0 =	sor.u32 s3, s0;
	s1 =	sshll.u32 s1, $0x11  }
0xbc: {  	s0 =	sor.u32 s1, s0  }
0xbd: {  	s0 =	sadd.s32 $0x8F2B, s0  }
0xbe: {  	[sflag:s0] =	ssyncadd.remote.s32 $0x1  }
0xbf: {  	_ =	sfence.sel $0xFFFF  }
0xc0: {  	[dreg:$0x0] =	wrdreg $0xFFFFFFFF;
	(pc) =	sbr.abs _section_cstart, $3  }
0xc1: {  	[dreg:$0x1] =	wrdreg $0xFFFFFFFF  }
0xc2: {  	_ =	task.clear_ibuf [dreg:s7], $0x2FFFF;
	_ =	strace $0x9FFFFFFF  }
0xc3: {  	(tm) =	ssettm $0x7FFFFFFF  }
tec
execute0_lowered:
.L_overlay_start_1:
0x0: {  	(tag) =	ssettag $0x1  }
0x1: {  	s8 =	rddreg [dreg:$0x0]  }
0x2: {  	s1 =	rddreg [dreg:$0x1]  }
0x3: {  	s2 =	rddreg [dreg:$0x2]  }
0x4: {  	s0 =	rddreg [dreg:$0x3];
	s3 =	simm.s32 $0x0;
	s4 =	srdreg.scid  }
0x5: {  	s15 =	simm.s32 $0x2800;
	s16 =	simm.s32 $0x6800;
	s17 =	simm.s32 $0x1  }
0x6: {  	s18 =	simm.s32 $0x2;
	s19 =	simm.s32 $0x3;
	s20 =	simm.s32 $0x4  }
0x7: {  	s21 =	simm.s32 $0x2700;
	s22 =	simm.s32 $0x2780;
	[smem:$0x7FF] =	sst s3  }
0x8: {  	s11 =	sand.u32 $0x1, s4;
	s4 =	stileid.u32;
	s5 =	sadd.s32 $0x5FA00, s8  }
0x9: {  	s6 =	sadd.s32 $0x2A00, s8;
	s7 =	sadd.s32 $0xD200, s8;
	s9 =	smul.u32 $0x28000, s11  }
0xa: {  	_ =	strace $0x8000004D;
	s10 =	ssub.s32 $0x2, s11;
	s12 =	smul.u32 $0x50000, s4  }
0xb: {  	s31 =	sshll.u32 s4, $0x6;
	s24 =	smul.u32 $0x2800, s4;
	p0 =	sne.s32 s11, $0x0  }
.Ltmp0:
0xc: {  	s13 =	sshrl.u32 s10, $0x1;
	s14 =	sadd.s32 s9, s8;
	(pc) =	sbr.rel .LBB2_1-.Ltmp0, $4  }
0xd: {  	s10 =	ssub.s32 s10, s13;
	s30 =	sshrl.u32 s12, $0x2;
	s8 =	smul.u32 $0xA0, s4  }
0xe: {  	s9 =	sor.u32 $0x1C05, s31;
	s13 =	simm.s32 $0x1400;
	s12 =	sadd.s32 s30, s2  }
0xf: {  	s23 =	sadd.s32 $0x87A00, s14;
	s10 =	smax.u32 s10, $0x1;
	s14 =	simm.s32 $0x80  }
0x10: {  	s11 =	sshrl.u32 s12, $0x3;
	s12 =	simm.s32 $0x5;
	s23 =	sadd.s32 s24, s23  }
.LBB2_5:
0x11: {  	s3 =	sadd.s32 $0x1, s3  }
0x12: {  	p1 =	sne.s32 s3, s10  }
.Ltmp1:
0x13: {  	[bflag:$0x0] =	sbarrier.arrive $0xFFFF;
	(pc) =	sbr.rel @!p1 .LBB2_6-.Ltmp1, $4  }
0x14: {  	[hbm:s23], [sflag:s9] =	dma.local [spmem:s11], $0x2800  }
0x15: {  	_ =	swait.ge [sflag:s12], $0x2800  }
0x16: {  	[sflag:s12] =	ssyncset.done $0x0  }
0x17: {  	[sflag:s12] =	ssyncadd.s32 $0xFFFFD800  }
.LBB2_1:
0x18: {  	[spmem:s11], [sflag:s9] =	dma.local [hbm:s7], $0x2800  }
.Ltmp2:
0x19: {  	_ =	swait.ge [sflag:s12], $0x2800;
	(pc) =	sbr.rel @p0 .LBB2_5-.Ltmp2, $4  }
0x1a: {  	[sflag:s12] =	ssyncset.done $0x0  }
0x1b: {  	[sflag:s12] =	ssyncadd.s32 $0xFFFFD800  }
0x1c: {  	[bflag:$0x0] =	sbarrier.arrive $0xFFFF  }
0x1d: {  	s24 =	simm.s32 $0x0  }
.LBB2_2:
0x1e: {  	s25 =	smul.u32 $0x28, s24;
	_ =	sdelay $0x1  }
0x1f: {  	s25 =	sadd.s32 s8, s25  }
0x20: {  	s25 =	sshll.u32 s25, $0x4  }
0x21: {  	s28 =	simm.s32 $0x0;
	s26 =	sadd.s32 s6, s25  }
0x22: {  	[tilespmem:s28], [sflag:$0x5] =	stream.linear.gather [hbm4b:s26+s28], $0x1400, $0x38;
	[tilespmem:$0x1E800] =	vst v63  }
0x23: {  	_ =	swait.ge [sflag:s12], $0x1400  }
0x24: {  	[sflag:s12] =	ssyncset.done $0x0  }
0x25: {  	s25 =	sadd.s32 s1, s25;
	[sflag:s12] =	ssyncadd.s32 $0xFFFFEC00  }
0x26: {  	[tilespmem:s13], [sflag:$0x5] =	stream.linear.gather [hbm4b:s25+s28], $0x1400, $0x38;
	[tilespmem:$0x1E800] =	vst v63  }
0x27: {  	_ =	swait.ge [sflag:s12], $0x1400  }
0x28: {  	[sflag:s12] =	ssyncset.done $0x0  }
0x29: {  	[sflag:s12] =	ssyncadd.s32 $0xFFFFEC00  }
0x2a: {  	[tilespmem:s15], [sflag:$0x1] =	stream.indirect.gather [hbm4b:s5+s14], $0x80, s28, s14, $0xb8;
	[tilespmem:$0x1E800] =	vst v63  }
0x2b: {  	_ = 	snop  }
0x2c: {  	[tilespmem:s16], [sflag:$0x2] =	stream.indirect.gather [hbm4b:s5+s14], $0x80, s14, s14, $0xb8;
	[tilespmem:$0x1E800] =	vst v63  }
0x2d: {  	_ =	swait.ge [sflag:s17], $0x4000  }
0x2e: {  	[sflag:s17] =	ssyncset.done $0x0  }
0x2f: {  	s29 =	simm.s32 $0x1400;
	[sflag:s17] =	ssyncadd.s32 $0xFFFFC000  }
0x30: {  	[spmem:s2] =	stream.indirect.scatter.add.f32 [tilespmem:s15], [sflag:$0x3], $0x80, s29, s14, $0xb8;
	[tilespmem:$0x1E800] =	vst v63  }
0x31: {  	_ =	swait.ge [sflag:s18], $0x4000  }
0x32: {  	[sflag:s18] =	ssyncset.done $0x0  }
0x33: {  	s30 =	simm.s32 $0x1480;
	[sflag:s18] =	ssyncadd.s32 $0xFFFFC000  }
0x34: {  	[spmem:s2] =	stream.indirect.scatter.add.f32 [tilespmem:s16], [sflag:$0x4], $0x80, s30, s14, $0xb8;
	[tilespmem:$0x1E800] =	vst v63  }
0x35: {  	_ =	swait.ge [sflag:s19], $0x4000  }
0x36: {  	[sflag:s19] =	ssyncset.done $0x0  }
0x37: {  	s31 =	simm.s32 $0x100;
	[sflag:s19] =	ssyncadd.s32 $0xFFFFC000  }
0x38: {  	[tilespmem:s15], [sflag:$0x1] =	stream.indirect.gather [hbm4b:s5+s14], $0x80, s31, s14, $0xb8;
	[tilespmem:$0x1E800] =	vst v63  }
0x39: {  	_ =	swait.ge [sflag:s20], $0x4000  }
0x3a: {  	[sflag:s20] =	ssyncset.done $0x0  }
0x3b: {  	s26 =	simm.s32 $0x180;
	s25 =	simm.s32 $0x400;
	[sflag:s20] =	ssyncadd.s32 $0xFFFFC000  }
.LBB2_3:
0x3c: {  	[tilespmem:s16], [sflag:$0x2] =	stream.indirect.gather [hbm4b:s5+s14], $0x80, s26, s14, $0xb8;
	[tilespmem:$0x1E800] =	vst v63  }
0x3d: {  	s26 =	smov.u32 s25  }
0x3e: {  	p1 =	sne.s32 s25, $0x4800;
	s25 =	sadd.s32 $0x400, s25;
	_ =	swait.ge [sflag:s17], $0x4000  }
0x3f: {  	s26 =	sshra.s32 s26, $0x2;
	[sflag:s17] =	ssyncset.done $0x0  }
0x40: {  	s28 =	sadd.s32 $0x1400, s26;
	[sflag:s17] =	ssyncadd.s32 $0xFFFFC000  }
0x41: {  	[spmem:s2] =	stream.indirect.scatter.add.f32 [tilespmem:s15], [sflag:$0x3], $0x80, s28, s14, $0xb8;
	[tilespmem:$0x1E800] =	vst v63  }
0x42: {  	_ =	swait.ge [sflag:s18], $0x4000  }
0x43: {  	[sflag:s18] =	ssyncset.done $0x0  }
0x44: {  	s28 =	sadd.s32 $0x1480, s26;
	[sflag:s18] =	ssyncadd.s32 $0xFFFFC000  }
0x45: {  	[spmem:s2] =	stream.indirect.scatter.add.f32 [tilespmem:s16], [sflag:$0x4], $0x80, s28, s14, $0xb8;
	[tilespmem:$0x1E800] =	vst v63  }
0x46: {  	_ =	swait.ge [sflag:s19], $0x4000  }
0x47: {  	[sflag:s19] =	ssyncset.done $0x0  }
.Ltmp3:
0x48: {  	s28 =	sadd.s32 $0x100, s26;
	[sflag:s19] =	ssyncadd.s32 $0xFFFFC000;
	(pc) =	sbr.rel @p1 .LBB2_3-.Ltmp3, $4  }
0x49: {  	[tilespmem:s15], [sflag:$0x1] =	stream.indirect.gather [hbm4b:s5+s14], $0x80, s28, s14, $0xb8;
	[tilespmem:$0x1E800] =	vst v63  }
0x4a: {  	_ =	swait.ge [sflag:s20], $0x4000  }
0x4b: {  	[sflag:s20] =	ssyncset.done $0x0  }
0x4c: {  	s26 =	sadd.s32 $0x180, s26;
	[sflag:s20] =	ssyncadd.s32 $0xFFFFC000  }
0x4d: {  	[tilespmem:s16], [sflag:$0x2] =	stream.indirect.gather [hbm4b:s5+s14], $0x80, s26, s14, $0xb8;
	[tilespmem:$0x1E800] =	vst v63  }
0x4e: {  	_ =	swait.ge [sflag:s17], $0x4000  }
0x4f: {  	[sflag:s17] =	ssyncset.done $0x0  }
0x50: {  	[sflag:s17] =	ssyncadd.s32 $0xFFFFC000  }
0x51: {  	[spmem:s2] =	stream.indirect.scatter.add.f32 [tilespmem:s15], [sflag:$0x3], $0x80, s21, s14, $0xb8;
	[tilespmem:$0x1E800] =	vst v63  }
0x52: {  	_ =	swait.ge [sflag:s18], $0x4000  }
0x53: {  	[sflag:s18] =	ssyncset.done $0x0  }
0x54: {  	s24 =	sadd.s32 $0x1, s24;
	[sflag:s18] =	ssyncadd.s32 $0xFFFFC000  }
0x55: {  	[spmem:s2] =	stream.indirect.scatter.add.f32 [tilespmem:s16], [sflag:$0x4], $0x80, s22, s14, $0xb8;
	[tilespmem:$0x1E800] =	vst v63  }
0x56: {  	p1 =	sne.s32 s24, $0x4;
	_ =	swait.ge [sflag:s19], $0x4000  }
.Ltmp4:
0x57: {  	[sflag:s19] =	ssyncset.done $0x0;
	(pc) =	sbr.rel @p1 .LBB2_2-.Ltmp4, $4  }
.Ltmp5:
0x58: {  	[sflag:s19] =	ssyncadd.s32 $0xFFFFC000;
	(pc) =	sbr.rel @!p1 .LBB2_5-.Ltmp5, $4  }
0x59: {  	_ =	swait.ge [sflag:s20], $0x4000  }
0x5a: {  	[sflag:s20] =	ssyncset.done $0x0  }
0x5b: {  	[sflag:s20] =	ssyncadd.s32 $0xFFFFC000  }
0x5c: {  	_ = 	snop  }
.LBB2_6:
0x5d: {  	_ =	sfence.sel $0x180000  }
0x5e: {  	[bflag:$0x0] =	sbarrier.arrive $0xFFFF  }
0x5f: {  	p0 =	sne.s32 s4, $0x0;
	_ =	strace $0x9000004D  }
0x60: {  	s0 =	sadd.s32 @!p0 $0x100000, s0;
	[bflag:$0x2] =	sbarrier.arrive $0xFFFF  }
0x61: {  	[sflag:s0] =	ssyncadd.tile.s32 @!p0 $0x1;
	_ =	shalt  }
.Lfunc_end2:
_tile_overlayer_lowered:
.L_overlay_start_2:
0x62: {  	(tag) =	ssettag $0x2  }
0x63: {  	s0 =	rddreg [dreg:$0x0];
	s2 =	stileid.u32  }
0x64: {  	s1 =	rddreg [dreg:$0x1];
	p0 =	sne.s32 s2, $0x0  }
0x65: {  	s3 =	rddreg [dreg:$0x2];
	[bflag:$0x3] =	sbarrier.arrive $0xFFFF;
	s2 =	simm.s32 @!p0 $0x1C05  }
0x66: {  	[timem:s3], [sflag:s2] =	dma.local @!p0 [hbm:s0], s1  }
0x67: {  	s0 =	simm.s32 @!p0 $0x5  }
0x68: {  	_ =	swait.ge @!p0 [sflag:s0], s1  }
0x69: {  	s1 =	ssub.s32 @!p0 $0x0, s1;
	[sflag:s0] =	ssyncset.done @!p0 $0x0  }
0x6a: {  	[sflag:s0] =	ssyncadd.s32 @!p0 s1  }
0x6b: {  	[bflag:$0x3] =	sbarrier.arrive $0xFFFF  }
0x6c: {  	_ =	shalt  }

// kernel: kernel.8.cloned.1.call-start
scs
__scs_entry_jumppad:
0x0: {  	(pc) =	sbr.rel $0x88, $3  }
0x1: {  	(tag) =	ssettag $0x0;
	lr =	simm.s32 $0x1  }
0x2: {  	[smem:$0x3F9B] =	sst lr;
	_ =	strace $0xD0000000  }
0x3: {  	_ = 	snop  }
0x4: {  	_ = 	snop  }
0x5: {  	_ = 	snop  }
0x6: {  	_ = 	snop  }
0x7: {  	_ = 	snop  }
__scs_overlays_trampoline_lowered:
0x8: {  	[smem:$0x3FAA] =	sst s0  }
0x9: {  	[smem:$0x3FAB] =	sst s1  }
0xa: {  	[smem:$0x3FAC] =	sst s2  }
0xb: {  	[smem:$0x3FAD] =	sst s3  }
0xc: {  	[smem:$0x3FAE] =	sst s4  }
0xd: {  	[smem:$0x3FAF] =	sst s5  }
0xe: {  	[smem:$0x3FB0] =	sst s6  }
0xf: {  	[smem:$0x3FB1] =	sst s7  }
0x10: {  	[smem:$0x3FB2] =	sst s8  }
0x11: {  	[smem:$0x3FB3] =	sst s9;
	s0 =	simm.s32 @!p0 $0x0  }
0x12: {  	s1 =	sld [smem:$0x3F99];
	s0 =	simm.s32 @p0 $0x1  }
0x13: {  	[smem:$0x3FB4] =	sst s0;
	s0 =	simm.s32 @!p1 $0x0  }
0x14: {  	s2 =	sld [smem:$0x3F98];
	s0 =	simm.s32 @p1 $0x1  }
0x15: {  	[smem:$0x3FB5] =	sst s0;
	s0 =	simm.s32 @!p2 $0x0  }
0x16: {  	s3 =	sld [smem:$0x3FDB];
	s0 =	simm.s32 @p2 $0x1  }
0x17: {  	s4 =	simm.s32 $0x1BF5;
	[smem:$0x3FB7] =	sst s0  }
0x18: {  	s0 =	sld [smem:$0x3F9A];
	_ =	swait.ge [sflag:s4], $0x0  }
0x19: {  	s7 =	sld [smem:$0x3F9B]  }
0x1a: {  	s8 =	sadd.s32 $0xFFFFE003, lr  }
0x1b: {  	s9 =	sadd.s32 $0xFFFFFEF7, lr;
	s5 =	simm.s32 $0xFFFFFFFF;
	p2 =	slt.u32 s8, $0xFFFFF086  }
0x1c: {  	p1 =	slt.u32 s9, $0xF7A;
	s5 =	simm.s32 @!p2 $0x0  }
0x1d: {  	s5 =	simm.s32 @p1 $0x1;
	p0 =	seq.s32 s7, s2  }
0x1e: {  	s7 =	smul.u32 @!p0 $0xF7A, s2;
	p2 =	seq.s32 @!p0 s5, $0x0  }
0x1f: {  	s9 =	smul.u32 $0xF7A, s1;
	s8 =	simm.s32 @!p0 $0x1BF5;
	p2 =	por !p2, p0  }
0x20: {  	[sflag:s8] =	ssyncset.s32 @!p0 $0xFFFFF086;
	s6 =	sadd.s32 @!p0 s3, s7;
	s7 =	simm.s32 @!p0 $0x108  }
0x21: {  	s3 =	sadd.s32 s3, s9;
	s6 =	sadd.s32 @!p0 $0x88, s6;
	s7 =	simm.s32 @p2 $0x1082  }
0x22: {  	[simem:s7], [sflag:s8] =	dma.local @!p0 [hbm:s6], $0xF7A  }
0x23: {  	s9 =	sor.u32 $0xD0000000, s2;
	s6 =	simm.s32 $0x108;
	_ =	swait.ge @!p0 [sflag:s8], $0x0  }
0x24: {  	s3 =	sadd.s32 $0x88, s3;
	s6 =	simm.s32 @!p1 $0x1082;
	[sflag:s4] =	ssyncset.s32 $0xFFFFF086  }
0x25: {  	[simem:s6], [sflag:s4] =	dma.local [hbm:s3], $0xF7A  }
0x26: {  	[smem:$0x3F9B] =	sst s1;
	(tag) =	ssettag s2;
	_ =	strace s9  }
0x27: {  	s1 =	sld [smem:$0x3FAB]  }
0x28: {  	s2 =	sld [smem:$0x3FAC]  }
0x29: {  	s4 =	sld [smem:$0x3FAE]  }
0x2a: {  	p0 =	seq.s32 s5, $0x0;
	s5 =	sld [smem:$0x3FAF]  }
0x2b: {  	s6 =	sld [smem:$0x3FB0]  }
0x2c: {  	s7 =	sld [smem:$0x3FB1]  }
0x2d: {  	s3 =	simm.s32 $0x108;
	s8 =	sld [smem:$0x3FB2]  }
0x2e: {  	s3 =	simm.s32 @!p0 $0x1082;
	s9 =	sld [smem:$0x3FB3]  }
0x2f: {  	lr =	sadd.s32 s0, s3;
	s0 =	sld [smem:$0x3FAA]  }
0x30: {  	s3 =	sld [smem:$0x3FAD]  }
0x31: {  	[smem:$0x3FB6] =	sst s10  }
0x32: {  	s10 =	sld [smem:$0x3FB4];
	_ =	sdelay $0x3  }
0x33: {  	p0 =	seq.s32 s10, $0x1;
	s10 =	sld [smem:$0x3FB6];
	_ =	sdelay $0x3  }
0x34: {  	[smem:$0x3FB6] =	sst s10  }
0x35: {  	s10 =	sld [smem:$0x3FB5];
	_ =	sdelay $0x3  }
0x36: {  	p1 =	seq.s32 s10, $0x1;
	s10 =	sld [smem:$0x3FB6];
	_ =	sdelay $0x3  }
0x37: {  	[smem:$0x3FB6] =	sst s10  }
0x38: {  	s10 =	sld [smem:$0x3FB7]  }
0x39: {  	_ = 	snop;
	(pc) =	sbr.ind lr, $3  }
0x3a: {  	_ = 	snop  }
0x3b: {  	_ = 	snop  }
0x3c: {  	p2 =	seq.s32 s10, $0x1;
	s10 =	sld [smem:$0x3FB6]  }
0x3d: {  	_ =	shalt  }
0x3e: {  	_ =	shalt  }
0x3f: {  	_ =	shalt  }
0x40: {  	_ =	shalt  }
0x41: {  	_ =	shalt  }
0x42: {  	_ =	shalt  }
0x43: {  	_ =	shalt  }
0x44: {  	_ =	shalt  }
0x45: {  	_ =	shalt  }
0x46: {  	_ =	shalt  }
0x47: {  	_ =	shalt  }
0x48: {  	_ =	shalt  }
0x49: {  	_ =	shalt  }
0x4a: {  	_ =	shalt  }
0x4b: {  	_ =	shalt  }
0x4c: {  	_ =	shalt  }
0x4d: {  	_ =	shalt  }
0x4e: {  	_ =	shalt  }
0x4f: {  	_ =	shalt  }
0x50: {  	_ =	shalt  }
0x51: {  	_ =	shalt  }
0x52: {  	_ =	shalt  }
0x53: {  	_ =	shalt  }
0x54: {  	_ =	shalt  }
0x55: {  	_ =	shalt  }
0x56: {  	_ =	shalt  }
0x57: {  	_ =	shalt  }
0x58: {  	_ =	shalt  }
0x59: {  	_ =	shalt  }
0x5a: {  	_ =	shalt  }
0x5b: {  	_ =	shalt  }
0x5c: {  	_ =	shalt  }
0x5d: {  	_ =	shalt  }
0x5e: {  	_ =	shalt  }
0x5f: {  	_ =	shalt  }
0x60: {  	_ =	shalt  }
0x61: {  	_ =	shalt  }
0x62: {  	_ =	shalt  }
0x63: {  	_ =	shalt  }
0x64: {  	_ =	shalt  }
0x65: {  	_ =	shalt  }
0x66: {  	_ =	shalt  }
0x67: {  	_ =	shalt  }
0x68: {  	_ =	shalt  }
0x69: {  	_ =	shalt  }
0x6a: {  	_ =	shalt  }
0x6b: {  	_ =	shalt  }
0x6c: {  	_ =	shalt  }
0x6d: {  	_ =	shalt  }
0x6e: {  	_ =	shalt  }
0x6f: {  	_ =	shalt  }
0x70: {  	_ =	shalt  }
0x71: {  	_ =	shalt  }
0x72: {  	_ =	shalt  }
0x73: {  	_ =	shalt  }
0x74: {  	_ =	shalt  }
0x75: {  	_ =	shalt  }
0x76: {  	_ =	shalt  }
0x77: {  	_ =	shalt  }
0x78: {  	_ =	shalt  }
0x79: {  	_ =	shalt  }
0x7a: {  	_ =	shalt  }
0x7b: {  	_ =	shalt  }
0x7c: {  	_ =	shalt  }
0x7d: {  	_ =	shalt  }
0x7e: {  	_ =	shalt  }
0x7f: {  	_ =	shalt  }
0x80: {  	_ =	shalt  }
0x81: {  	_ =	shalt  }
0x82: {  	_ =	shalt  }
0x83: {  	_ =	shalt  }
0x84: {  	_ =	shalt  }
0x85: {  	_ =	shalt  }
0x86: {  	_ =	shalt  }
0x87: {  	_ =	shalt  }
.Lfunc_end0:
.L_simem_size_0:
called_computation_lowered:
.L_overlay_start_0:
0x88: {  	s2 =	sld [smem:$0x3FD9]  }
0x89: {  	s3 =	sld [smem:$0x3FFE];
	_ =	sdelay $0x1  }
0x8a: {  	s1 =	srdreg.scid  }
0x8b: {  	s0 =	sand.u32 $0x1, s1  }
0x8c: {  	s17 =	sshll.u32 s0, $0xA;
	s2 =	sadd.s32 s3, s2  }
0x8d: {  	s2 =	sadd.s32 s2, s17  }
0x8e: {  	[smem:$0x3FC2] =	sst s2  }
0x8f: {  	_ = 	snop  }
0x90: {  	s2 =	sld [smem:$0x3FD0];
	(tm) =	ssettm $0x1  }
0x91: {  	s18 =	sld [smem:$0x3FFB];
	_ =	sdelay $0x3  }
0x92: {  	_ =	strace s18  }
0x93: {  	s3 =	sld [smem:$0x3FFC];
	_ =	sdelay $0x3  }
0x94: {  	_ =	strace s3  }
0x95: {  	s3 =	sld [smem:$0x3FFD];
	_ =	sdelay $0x3  }
0x96: {  	_ =	strace s3  }
0x97: {  	_ =	strace $0x8FFFFFFF  }
0x98: {  	s19 =	sld [smem:$0x3FDB];
	_ =	sdelay $0x1  }
0x99: {  	s4 =	simm.s32 $_scs_section_size  }
0x9a: {  	s5 =	simm.s32 $_size__tile_overlayer_lowered;
	s6 =	simm.s32 $_tile_overlayer_lowered  }
0x9b: {  	s22 =	simm.s32 $0x1BFF;
	s21 =	sshll.u32 s6, $0x1;
	s3 =	sadd.s32 s4, s19  }
0x9c: {  	s7 =	simm.s32 $0x0;
	s20 =	sshll.u32 s5, $0x1;
	s5 =	sadd.s32 s21, s3  }
0x9d: {  	[timem:s7], [sflag:s22] =	dma.local [hbm:s5], s20  }
0x9e: {  	_ =	swait.ge [sflag:s22], s20  }
0x9f: {  	s4 =	ssub.s32 $0x0, s20;
	[sflag:s22] =	ssyncset.done $0x0  }
0xa0: {  	[sflag:s22] =	ssyncadd.s32 s4;
	_ =	sdelay $0x1  }
0xa1: {  	s23 =	simm.s32 $0x1B8B  }
0xa2: {  	_ =	swait.ge [sflag:s23], $0x1  }
0xa3: {  	[sflag:s23] =	ssyncset.done $0x0  }
0xa4: {  	s25 =	simm.s32 $0x1B8E;
	s24 =	sld [smem:$0x3FFE];
	[sflag:s23] =	ssyncadd.s32 $0xFFFFFFFF  }
0xa5: {  	s26 =	simm.s32 $execute0_lowered;
	[smem:$0x3FD2] =	sst s25  }
0xa6: {  	s5 =	sshll.u32 s26, $0x1;
	_ =	strace $0x80000046;
	[dreg:$0x1] =	wrdreg $0xFFFFFFFF  }
0xa7: {  	s28 =	simm.s32 $_size_execute0_lowered;
	s3 =	sadd.s32 s3, s5;
	[dreg:$0x0] =	wrdreg $0x0  }
0xa8: {  	s5 =	sshll.u32 s28, $0x1;
	[dreg:$0x2] =	wrdreg s3  }
0xa9: {  	[dreg:$0x3] =	wrdreg s5  }
0xaa: {  	[dreg:$0x4] =	wrdreg $0xC0  }
0xab: {  	_ =	task [dreg:s7], $0x5FFFF  }
0xac: {  	[dreg:$0x1] =	wrdreg $0xFFFFFFFF  }
0xad: {  	[dreg:$0x0] =	wrdreg $0x60  }
0xae: {  	[dreg:$0x2] =	wrdreg s2  }
0xaf: {  	[dreg:$0x3] =	wrdreg s24  }
0xb0: {  	[dreg:$0x4] =	wrdreg $0x68000  }
0xb1: {  	[dreg:$0x5] =	wrdreg $0x9  }
0xb2: {  	_ =	task.clear_ibuf [dreg:s7], $0x6FFFF;
	_ =	strace $0x90000046  }
0xb3: {  	s29 =	simm.s32 $0x9;
	_ =	strace $0x80000048  }
0xb4: {  	_ =	swait.ge [sflag:s29], $0x1  }
0xb5: {  	[sflag:s29] =	ssyncadd.s32 $0xFFFFFFFF  }
0xb6: {  	_ =	strace $0x90000048  }
0xb7: {  	_ =	sfence  }
0xb8: {  	s30 =	sld [smem:$0x0];
	_ =	sdelay $0x2  }
0xb9: {  	s31 =	sshll.u32 s1, $0xD;
	s1 =	sshrl.u32 s1, $0x2  }
0xba: {  	s3 =	sand.u32 $0x4000, s31;
	s1 =	sadd.s32 s1, s30  }
0xbb: {  	s0 =	sor.u32 s3, s0;
	s1 =	sshll.u32 s1, $0x11  }
0xbc: {  	s0 =	sor.u32 s1, s0  }
0xbd: {  	s0 =	sadd.s32 $0x8F2B, s0  }
0xbe: {  	[sflag:s0] =	ssyncadd.remote.s32 $0x1  }
0xbf: {  	_ =	sfence.sel $0xFFFF  }
0xc0: {  	[dreg:$0x0] =	wrdreg $0xFFFFFFFF;
	(pc) =	sbr.abs _section_cstart, $3  }
0xc1: {  	[dreg:$0x1] =	wrdreg $0xFFFFFFFF  }
0xc2: {  	_ =	task.clear_ibuf [dreg:s7], $0x2FFFF;
	_ =	strace $0x9FFFFFFF  }
0xc3: {  	(tm) =	ssettm $0x7FFFFFFF  }
tec
execute0_lowered:
.L_overlay_start_1:
0x0: {  	(tag) =	ssettag $0x1  }
0x1: {  	s7 =	rddreg [dreg:$0x0]  }
0x2: {  	s6 =	rddreg [dreg:$0x1]  }
0x3: {  	s1 =	rddreg [dreg:$0x2]  }
0x4: {  	s0 =	rddreg [dreg:$0x3]  }
0x5: {  	s2 =	simm.s32 $0x0;
	s3 =	srdreg.scid;
	s13 =	simm.s32 $0x1  }
0x6: {  	s14 =	simm.s32 $0x2;
	s15 =	simm.s32 $0x3;
	s16 =	simm.s32 $0x4  }
0x7: {  	s17 =	simm.s32 $0x5;
	s18 =	simm.s32 $0x6;
	s19 =	simm.s32 $0x7  }
0x8: {  	s20 =	simm.s32 $0x8;
	[smem:$0x7FF] =	sst s2;
	s4 =	sadd.s32 $0xCA00, s6  }
0x9: {  	s8 =	sand.u32 $0x1, s3;
	s5 =	sadd.s32 $0xD200, s6;
	s3 =	stileid.u32  }
0xa: {  	_ =	strace $0x80000047;
	s9 =	smul.u32 $0x28000, s8;
	s10 =	ssub.s32 $0x2, s8  }
0xb: {  	s11 =	smul.u32 $0x50000, s3;
	s8 =	sshll.u32 s8, $0x4;
	s12 =	sshll.u32 s3, $0x6  }
0xc: {  	s22 =	smul.u32 $0x2800, s3;
	s31 =	sshrl.u32 s10, $0x1;
	s8 =	sor.u32 s3, s8  }
0xd: {  	s9 =	sadd.s32 s9, s6;
	s11 =	sshrl.u32 s11, $0x2;
	s8 =	smul.u32 $0x500, s8  }
0xe: {  	s10 =	ssub.s32 s10, s31;
	s6 =	sor.u32 $0x1C09, s12;
	s12 =	simm.s32 $0x80  }
0xf: {  	s11 =	sadd.s32 s11, s1;
	s21 =	sadd.s32 $0xFA00, s9;
	s7 =	sadd.s32 s7, s8  }
0x10: {  	s8 =	smax.u32 s10, $0x1;
	s9 =	sshrl.u32 s11, $0x3;
	s10 =	simm.s32 $0x9  }
0x11: {  	s11 =	simm.s32 $0x2800;
	s21 =	sadd.s32 s22, s21;
	s22 =	simm.s32 $0x0  }
.LBB2_1:
0x12: {  	[spmem:s9], [sflag:s6] =	dma.local [hbm:s5], $0x2800  }
0x13: {  	_ =	swait.ge [sflag:s10], $0x2800  }
0x14: {  	[sflag:s10] =	ssyncset.done $0x0  }
0x15: {  	[sflag:s10] =	ssyncadd.s32 $0xFFFFD800  }
0x16: {  	[tilespmem:s11], [sflag:$0x9] =	stream.linear.gather [hbm4b:s4+s2], $0x4000, $0x38;
	[tilespmem:$0x1A800] =	vst v63  }
0x17: {  	_ =	swait.ge [sflag:s10], $0x4000  }
0x18: {  	[sflag:s10] =	ssyncset.done $0x0  }
0x19: {  	[sflag:s10] =	ssyncadd.s32 $0xFFFFC000  }
0x1a: {  	[tilespmem:s2], [sflag:$0x9] =	stream.linear.gather [hbm4b:s7+s2], $0x2800, $0x38;
	[tilespmem:$0x1A800] =	vst v63  }
0x1b: {  	_ =	swait.ge [sflag:s10], $0x2800  }
0x1c: {  	[sflag:s10] =	ssyncset.done $0x0  }
0x1d: {  	[sflag:s10] =	ssyncadd.s32 $0xFFFFD800  }
0x1e: {  	s23 =	simm.s32 $0x0;
	[bflag:$0x0] =	sbarrier.arrive $0xFFFF  }
0x1f: {  	[spmem:s1] =	stream.indirect.scatter.add.f32 [tilespmem:s11], [sflag:$0x1], $0x80, s23, s12, $0xb8;
	[tilespmem:$0x1A800] =	vst v63  }
0x20: {  	s24 =	simm.s32 $0x80  }
0x21: {  	[spmem:s1] =	stream.indirect.scatter.add.f32 [tilespmem:s11], [sflag:$0x2], $0x80, s24, s12, $0xb8;
	[tilespmem:$0x1A800] =	vst v63  }
0x22: {  	s25 =	simm.s32 $0x100  }
0x23: {  	[spmem:s1] =	stream.indirect.scatter.add.f32 [tilespmem:s11], [sflag:$0x3], $0x80, s25, s12, $0xb8;
	[tilespmem:$0x1A800] =	vst v63  }
0x24: {  	s26 =	simm.s32 $0x180  }
0x25: {  	[spmem:s1] =	stream.indirect.scatter.add.f32 [tilespmem:s11], [sflag:$0x4], $0x80, s26, s12, $0xb8;
	[tilespmem:$0x1A800] =	vst v63  }
0x26: {  	s28 =	simm.s32 $0x200  }
0x27: {  	[spmem:s1] =	stream.indirect.scatter.add.f32 [tilespmem:s11], [sflag:$0x5], $0x80, s28, s12, $0xb8;
	[tilespmem:$0x1A800] =	vst v63  }
0x28: {  	s29 =	simm.s32 $0x280  }
0x29: {  	[spmem:s1] =	stream.indirect.scatter.add.f32 [tilespmem:s11], [sflag:$0x6], $0x80, s29, s12, $0xb8;
	[tilespmem:$0x1A800] =	vst v63  }
0x2a: {  	s30 =	simm.s32 $0x300  }
0x2b: {  	[spmem:s1] =	stream.indirect.scatter.add.f32 [tilespmem:s11], [sflag:$0x7], $0x80, s30, s12, $0xb8;
	[tilespmem:$0x1A800] =	vst v63  }
0x2c: {  	s31 =	simm.s32 $0x380  }
0x2d: {  	[spmem:s1] =	stream.indirect.scatter.add.f32 [tilespmem:s11], [sflag:$0x8], $0x80, s31, s12, $0xb8;
	[tilespmem:$0x1A800] =	vst v63  }
0x2e: {  	_ =	swait.ge [sflag:s13], $0x4000  }
0x2f: {  	[sflag:s13] =	ssyncset.done $0x0  }
0x30: {  	[sflag:s13] =	ssyncadd.s32 $0xFFFFC000  }
0x31: {  	_ =	swait.ge [sflag:s14], $0x4000  }
0x32: {  	[sflag:s14] =	ssyncset.done $0x0  }
0x33: {  	[sflag:s14] =	ssyncadd.s32 $0xFFFFC000  }
0x34: {  	_ =	swait.ge [sflag:s15], $0x4000  }
0x35: {  	[sflag:s15] =	ssyncset.done $0x0  }
0x36: {  	[sflag:s15] =	ssyncadd.s32 $0xFFFFC000  }
0x37: {  	_ =	swait.ge [sflag:s16], $0x4000  }
0x38: {  	[sflag:s16] =	ssyncset.done $0x0  }
0x39: {  	[sflag:s16] =	ssyncadd.s32 $0xFFFFC000  }
0x3a: {  	_ =	swait.ge [sflag:s17], $0x4000  }
0x3b: {  	[sflag:s17] =	ssyncset.done $0x0  }
0x3c: {  	[sflag:s17] =	ssyncadd.s32 $0xFFFFC000  }
0x3d: {  	_ =	swait.ge [sflag:s18], $0x4000  }
0x3e: {  	[sflag:s18] =	ssyncset.done $0x0  }
0x3f: {  	[sflag:s18] =	ssyncadd.s32 $0xFFFFC000  }
0x40: {  	_ =	swait.ge [sflag:s19], $0x4000  }
0x41: {  	[sflag:s19] =	ssyncset.done $0x0  }
0x42: {  	[sflag:s19] =	ssyncadd.s32 $0xFFFFC000  }
0x43: {  	_ =	swait.ge [sflag:s20], $0x4000  }
0x44: {  	s23 =	simm.s32 $0x1000;
	s25 =	simm.s32 $0x2000;
	[sflag:s20] =	ssyncset.done $0x0  }
.LBB2_2:
0x45: {  	s26 =	sshra.s32 s23, $0x2  }
0x46: {  	[sflag:s20] =	ssyncadd.s32 $0xFFFFC000;
	s23 =	smov.u32 s25;
	s24 =	sadd.s32 $0x1000, s25  }
0x47: {  	[spmem:s1] =	stream.indirect.scatter.add.f32 [tilespmem:s11], [sflag:$0x1], $0x80, s26, s12, $0xb8;
	[tilespmem:$0x1A800] =	vst v63  }
0x48: {  	p0 =	sne.s32 s25, $0x9000;
	s25 =	sadd.s32 $0x80, s26  }
0x49: {  	[spmem:s1] =	stream.indirect.scatter.add.f32 [tilespmem:s11], [sflag:$0x2], $0x80, s25, s12, $0xb8;
	[tilespmem:$0x1A800] =	vst v63  }
0x4a: {  	s25 =	sadd.s32 $0x100, s26  }
0x4b: {  	[spmem:s1] =	stream.indirect.scatter.add.f32 [tilespmem:s11], [sflag:$0x3], $0x80, s25, s12, $0xb8;
	[tilespmem:$0x1A800] =	vst v63  }
0x4c: {  	s25 =	sadd.s32 $0x180, s26  }
0x4d: {  	[spmem:s1] =	stream.indirect.scatter.add.f32 [tilespmem:s11], [sflag:$0x4], $0x80, s25, s12, $0xb8;
	[tilespmem:$0x1A800] =	vst v63  }
0x4e: {  	s25 =	sadd.s32 $0x200, s26  }
0x4f: {  	[spmem:s1] =	stream.indirect.scatter.add.f32 [tilespmem:s11], [sflag:$0x5], $0x80, s25, s12, $0xb8;
	[tilespmem:$0x1A800] =	vst v63  }
0x50: {  	s25 =	sadd.s32 $0x280, s26  }
0x51: {  	[spmem:s1] =	stream.indirect.scatter.add.f32 [tilespmem:s11], [sflag:$0x6], $0x80, s25, s12, $0xb8;
	[tilespmem:$0x1A800] =	vst v63  }
0x52: {  	s25 =	sadd.s32 $0x300, s26  }
0x53: {  	[spmem:s1] =	stream.indirect.scatter.add.f32 [tilespmem:s11], [sflag:$0x7], $0x80, s25, s12, $0xb8;
	[tilespmem:$0x1A800] =	vst v63  }
0x54: {  	s25 =	sadd.s32 $0x380, s26  }
0x55: {  	[spmem:s1] =	stream.indirect.scatter.add.f32 [tilespmem:s11], [sflag:$0x8], $0x80, s25, s12, $0xb8;
	[tilespmem:$0x1A800] =	vst v63  }
0x56: {  	_ =	swait.ge [sflag:s13], $0x4000  }
0x57: {  	[sflag:s13] =	ssyncset.done $0x0  }
0x58: {  	[sflag:s13] =	ssyncadd.s32 $0xFFFFC000  }
0x59: {  	_ =	swait.ge [sflag:s14], $0x4000  }
0x5a: {  	[sflag:s14] =	ssyncset.done $0x0  }
0x5b: {  	[sflag:s14] =	ssyncadd.s32 $0xFFFFC000  }
0x5c: {  	_ =	swait.ge [sflag:s15], $0x4000  }
0x5d: {  	[sflag:s15] =	ssyncset.done $0x0  }
0x5e: {  	[sflag:s15] =	ssyncadd.s32 $0xFFFFC000  }
0x5f: {  	_ =	swait.ge [sflag:s16], $0x4000  }
0x60: {  	[sflag:s16] =	ssyncset.done $0x0  }
0x61: {  	[sflag:s16] =	ssyncadd.s32 $0xFFFFC000  }
0x62: {  	_ =	swait.ge [sflag:s17], $0x4000  }
0x63: {  	[sflag:s17] =	ssyncset.done $0x0  }
0x64: {  	[sflag:s17] =	ssyncadd.s32 $0xFFFFC000  }
0x65: {  	_ =	swait.ge [sflag:s18], $0x4000  }
0x66: {  	[sflag:s18] =	ssyncset.done $0x0  }
0x67: {  	[sflag:s18] =	ssyncadd.s32 $0xFFFFC000  }
.Ltmp0:
0x68: {  	_ =	swait.ge [sflag:s19], $0x4000;
	(pc) =	sbr.rel @p0 .LBB2_2-.Ltmp0, $4  }
0x69: {  	[sflag:s19] =	ssyncset.done $0x0  }
0x6a: {  	[sflag:s19] =	ssyncadd.s32 $0xFFFFC000  }
0x6b: {  	_ =	swait.ge [sflag:s20], $0x4000  }
0x6c: {  	s25 =	smov.u32 s24;
	[sflag:s20] =	ssyncset.done $0x0  }
0x6d: {  	s23 =	sshra.s32 s23, $0x2;
	[sflag:s20] =	ssyncadd.s32 $0xFFFFC000  }
0x6e: {  	[spmem:s1] =	stream.indirect.scatter.add.f32 [tilespmem:s11], [sflag:$0x1], $0x80, s23, s12, $0xb8;
	[tilespmem:$0x1A800] =	vst v63  }
0x6f: {  	s24 =	sadd.s32 $0x80, s23  }
0x70: {  	[spmem:s1] =	stream.indirect.scatter.add.f32 [tilespmem:s11], [sflag:$0x2], $0x80, s24, s12, $0xb8;
	[tilespmem:$0x1A800] =	vst v63  }
0x71: {  	s26 =	sadd.s32 $0x100, s23  }
0x72: {  	[spmem:s1] =	stream.indirect.scatter.add.f32 [tilespmem:s11], [sflag:$0x3], $0x80, s26, s12, $0xb8;
	[tilespmem:$0x1A800] =	vst v63  }
0x73: {  	s28 =	sadd.s32 $0x180, s23  }
0x74: {  	[spmem:s1] =	stream.indirect.scatter.add.f32 [tilespmem:s11], [sflag:$0x4], $0x80, s28, s12, $0xb8;
	[tilespmem:$0x1A800] =	vst v63  }
0x75: {  	s29 =	sadd.s32 $0x200, s23  }
0x76: {  	[spmem:s1] =	stream.indirect.scatter.add.f32 [tilespmem:s11], [sflag:$0x5], $0x80, s29, s12, $0xb8;
	[tilespmem:$0x1A800] =	vst v63  }
0x77: {  	s30 =	sadd.s32 $0x280, s23  }
0x78: {  	[spmem:s1] =	stream.indirect.scatter.add.f32 [tilespmem:s11], [sflag:$0x6], $0x80, s30, s12, $0xb8;
	[tilespmem:$0x1A800] =	vst v63  }
0x79: {  	s31 =	sadd.s32 $0x300, s23  }
0x7a: {  	[spmem:s1] =	stream.indirect.scatter.add.f32 [tilespmem:s11], [sflag:$0x7], $0x80, s31, s12, $0xb8;
	[tilespmem:$0x1A800] =	vst v63  }
0x7b: {  	s23 =	sadd.s32 $0x380, s23  }
0x7c: {  	[spmem:s1] =	stream.indirect.scatter.add.f32 [tilespmem:s11], [sflag:$0x8], $0x80, s23, s12, $0xb8;
	[tilespmem:$0x1A800] =	vst v63  }
0x7d: {  	_ =	swait.ge [sflag:s13], $0x4000  }
0x7e: {  	[sflag:s13] =	ssyncset.done $0x0  }
0x7f: {  	[sflag:s13] =	ssyncadd.s32 $0xFFFFC000  }
0x80: {  	_ =	swait.ge [sflag:s14], $0x4000  }
0x81: {  	[sflag:s14] =	ssyncset.done $0x0  }
0x82: {  	[sflag:s14] =	ssyncadd.s32 $0xFFFFC000  }
0x83: {  	_ =	swait.ge [sflag:s15], $0x4000  }
0x84: {  	[sflag:s15] =	ssyncset.done $0x0  }
0x85: {  	[sflag:s15] =	ssyncadd.s32 $0xFFFFC000  }
0x86: {  	_ =	swait.ge [sflag:s16], $0x4000  }
0x87: {  	[sflag:s16] =	ssyncset.done $0x0  }
0x88: {  	[sflag:s16] =	ssyncadd.s32 $0xFFFFC000  }
0x89: {  	_ =	swait.ge [sflag:s17], $0x4000  }
0x8a: {  	[sflag:s17] =	ssyncset.done $0x0  }
0x8b: {  	[sflag:s17] =	ssyncadd.s32 $0xFFFFC000  }
0x8c: {  	_ =	swait.ge [sflag:s18], $0x4000  }
0x8d: {  	[sflag:s18] =	ssyncset.done $0x0  }
0x8e: {  	[sflag:s18] =	ssyncadd.s32 $0xFFFFC000  }
0x8f: {  	_ =	swait.ge [sflag:s19], $0x4000  }
0x90: {  	[sflag:s19] =	ssyncset.done $0x0  }
0x91: {  	[sflag:s19] =	ssyncadd.s32 $0xFFFFC000  }
0x92: {  	_ =	swait.ge [sflag:s20], $0x4000  }
0x93: {  	s22 =	sadd.s32 $0x1, s22;
	[sflag:s20] =	ssyncset.done $0x0  }
0x94: {  	p0 =	sne.s32 s22, s8;
	[sflag:s20] =	ssyncadd.s32 $0xFFFFC000  }
.Ltmp1:
0x95: {  	[bflag:$0x0] =	sbarrier.arrive $0xFFFF;
	(pc) =	sbr.rel @p0 .LBB2_1-.Ltmp1, $4  }
0x96: {  	[hbm:s21], [sflag:s6] =	dma.local [spmem:s9], $0x2800  }
0x97: {  	_ =	swait.ge [sflag:s10], $0x2800  }
0x98: {  	[sflag:s10] =	ssyncset.done $0x0  }
0x99: {  	[sflag:s10] =	ssyncadd.s32 $0xFFFFD800  }
0x9a: {  	_ =	sfence.sel $0x180000  }
0x9b: {  	[bflag:$0x0] =	sbarrier.arrive $0xFFFF  }
0x9c: {  	p0 =	sne.s32 s3, $0x0;
	_ =	strace $0x90000047  }
0x9d: {  	s0 =	sadd.s32 @!p0 $0x100000, s0;
	[bflag:$0x2] =	sbarrier.arrive $0xFFFF  }
0x9e: {  	[sflag:s0] =	ssyncadd.tile.s32 @!p0 $0x1;
	_ =	shalt  }
.Lfunc_end2:
_tile_overlayer_lowered:
.L_overlay_start_2:
0x9f: {  	(tag) =	ssettag $0x2  }
0xa0: {  	s0 =	rddreg [dreg:$0x0];
	s2 =	stileid.u32  }
0xa1: {  	s1 =	rddreg [dreg:$0x1];
	p0 =	sne.s32 s2, $0x0  }
0xa2: {  	s3 =	rddreg [dreg:$0x2];
	[bflag:$0x3] =	sbarrier.arrive $0xFFFF;
	s2 =	simm.s32 @!p0 $0x1C09  }
0xa3: {  	[timem:s3], [sflag:s2] =	dma.local @!p0 [hbm:s0], s1  }
0xa4: {  	s0 =	simm.s32 @!p0 $0x9  }
0xa5: {  	_ =	swait.ge @!p0 [sflag:s0], s1  }
0xa6: {  	s1 =	ssub.s32 @!p0 $0x0, s1;
	[sflag:s0] =	ssyncset.done @!p0 $0x0  }
0xa7: {  	[sflag:s0] =	ssyncadd.s32 @!p0 s1  }
0xa8: {  	[bflag:$0x3] =	sbarrier.arrive $0xFFFF  }
0xa9: {  	_ =	shalt  }

</sc_bundles>
